<compile_context>
chip_gen: v7x
topology: tpu7x:2x2x1
jax: 0.10.2.dev20260603
libtpu: 0.0.44.dev20260713+nightly
codegen_flags: <defaults>
</compile_context>

<pallas_src>
import functools

import jax
import jax.numpy as jnp
from jax import lax
from jax.experimental import pallas as pl
from jax.experimental.pallas import tpu as pltpu
from jax.experimental.pallas import tpu_sc as plsc

D_MODEL = 128
NC = 2
NS = 16
NW = NC * NS
CHUNK = 128
NBUF = 7
GDEPTH = 6


@functools.partial(jax.jit, static_argnames=("batch",))
def _emb_lookup(table, idx_flat, *, batch):
    b_per_w = batch // NW
    n_chunks = b_per_w // CHUNK
    assert n_chunks * CHUNK == b_per_w and n_chunks >= 2 * NBUF
    mesh = plsc.VectorSubcoreMesh(
        core_axis_name="c", subcore_axis_name="s",
        num_cores=NC, num_subcores=NS)

    @functools.partial(
        pl.kernel,
        out_type=jax.ShapeDtypeStruct((batch, D_MODEL), jnp.float32),
        mesh=mesh,
        scratch_types=[
            pltpu.VMEM((b_per_w,), jnp.int32),
            pltpu.VMEM((NBUF, CHUNK, D_MODEL), jnp.float32),
            [pltpu.SemaphoreType.DMA] * NBUF,
            [pltpu.SemaphoreType.DMA] * NBUF,
        ],
    )
    def emb_kernel(table_hbm, idx_hbm, out_hbm, idx_v, rows_v, gsems, wsems):
        wid = lax.axis_index("s") * NC + lax.axis_index("c")
        base = wid * b_per_w
        pltpu.sync_copy(idx_hbm.at[pl.ds(base, b_per_w)], idx_v)

        def fire_gather(c, s):
            pltpu.async_copy(
                table_hbm.at[idx_v.at[pl.ds(c * CHUNK, CHUNK)]],
                rows_v.at[s], gsems[s])

        def drain_gather(s):
            pltpu.make_async_copy(
                table_hbm.at[idx_v.at[pl.ds(0, CHUNK)]],
                rows_v.at[s], gsems[s]).wait()

        def fire_write(c, s):
            pltpu.async_copy(
                rows_v.at[s], out_hbm.at[pl.ds(base + c * CHUNK, CHUNK)],
                wsems[s])

        def drain_write(s):
            pltpu.make_async_copy(
                rows_v.at[s], out_hbm.at[pl.ds(base, CHUNK)],
                wsems[s]).wait()

        def step(c, s, drain_w, fire_next):
            drain_gather(s)
            fire_write(c, s)
            if drain_w:
                drain_write((s + GDEPTH) % NBUF)
            if fire_next:
                fire_gather(c + GDEPTH, (s + GDEPTH) % NBUF)

        for c in range(GDEPTH):
            fire_gather(c, c % NBUF)
        for c in range(NBUF - GDEPTH):
            step(c, c % NBUF, False, True)

        c_main = NBUF - GDEPTH
        n_blocks = (n_chunks - GDEPTH - c_main) // NBUF

        def body(i, carry):
            c0 = c_main + NBUF * i
            for k in range(NBUF):
                step(c0 + k, (c_main + k) % NBUF, True, True)
            return carry

        lax.fori_loop(0, n_blocks, body, 0)
        for c in range(c_main + NBUF * n_blocks, n_chunks):
            step(c, c % NBUF, True, c + GDEPTH < n_chunks)
        for c in range(n_chunks + GDEPTH - NBUF, n_chunks):
            drain_write(c % NBUF)

    return emb_kernel(table, idx_flat)


def kernel(token_ids, weight):
    b, t = token_ids.shape
    idx_flat = token_ids.reshape(b * t).astype(jnp.int32)
    out = _emb_lookup(weight, idx_flat, batch=b * t)
    return out.reshape(b, t, D_MODEL)

# --- scband reference (transcript-rebuilt; emitter-appended) ---
"""Pipeline reference for scband-embedding-73572789780642 (READ-ONLY COPY).

The authoritative reference and input builder live on the scoring server;
editing this copy changes nothing except your own understanding.
"""

import jax, jax.numpy as jnp
import numpy as np

VOCAB = 100000
D_MODEL = 128

def setup_inputs(seed: int = 0) -> dict:
    key = jax.random.key(seed)
    k_idx, k_w = jax.random.split(key)
    token_ids = jax.random.randint(k_idx, (1024, 200), 0, VOCAB, dtype=jnp.int64 if jax.config.jax_enable_x64 else jnp.int32)
    # truncated normal with std=1, a=-3, b=3
    weight = jax.random.truncated_normal(k_w, -3.0, 3.0, (VOCAB, D_MODEL), dtype=jnp.float32)
    return {"token_ids": token_ids, "weight": weight}

def reference(token_ids, weight):
    # Faithful to the torch module: per-token lookup into weight table,
    # vectorized as a gather.
    return jnp.take(weight, token_ids, axis=0)

if __name__ == "__main__":
    import jax
    _d = setup_inputs()
    print(jax.jit(kernel)(*tuple(_d.values())))

</pallas_src>

<mosaic_0001>
#map = affine_map<(d0, d1) -> (0, 0)>
#map1 = affine_map<(d0, d1) -> (0)>
module attributes {stable_mosaic.version = 14 : i64} {
  func.func @emb_kernel(%arg0: i32, %arg1: i32, %arg2: memref<100000x128xf32, #tpu.memory_space<hbm>>, %arg3: memref<204800xi32, #tpu.memory_space<hbm>>, %arg4: memref<204800x128xf32, #tpu.memory_space<hbm>>, %arg5: memref<6400xi32, #tpu.memory_space<vmem>>, %arg6: memref<7x128x128xf32, #tpu.memory_space<vmem>>, %arg7: memref<!tpu.dma_semaphore, #tpu.memory_space<semaphore_mem>>, %arg8: memref<!tpu.dma_semaphore, #tpu.memory_space<semaphore_mem>>, %arg9: memref<!tpu.dma_semaphore, #tpu.memory_space<semaphore_mem>>, %arg10: memref<!tpu.dma_semaphore, #tpu.memory_space<semaphore_mem>>, %arg11: memref<!tpu.dma_semaphore, #tpu.memory_space<semaphore_mem>>, %arg12: memref<!tpu.dma_semaphore, #tpu.memory_space<semaphore_mem>>, %arg13: memref<!tpu.dma_semaphore, #tpu.memory_space<semaphore_mem>>, %arg14: memref<!tpu.dma_semaphore, #tpu.memory_space<semaphore_mem>>, %arg15: memref<!tpu.dma_semaphore, #tpu.memory_space<semaphore_mem>>, %arg16: memref<!tpu.dma_semaphore, #tpu.memory_space<semaphore_mem>>, %arg17: memref<!tpu.dma_semaphore, #tpu.memory_space<semaphore_mem>>, %arg18: memref<!tpu.dma_semaphore, #tpu.memory_space<semaphore_mem>>, %arg19: memref<!tpu.dma_semaphore, #tpu.memory_space<semaphore_mem>>, %arg20: memref<!tpu.dma_semaphore, #tpu.memory_space<semaphore_mem>>) attributes {dimension_semantics = [#tpu.dimension_semantics<core_parallel>, #tpu.dimension_semantics<subcore_parallel>], iteration_bounds = array<i64: 2, 16>, scalar_prefetch = 0 : i64, scratch_operands = 16 : i64, tpu.core_type = #tpu.core_type<sc_vector_subcore>, window_params = [{transform_indices = #map}, {transform_indices = #map1}, {transform_indices = #map}]} {
    %mul3A = arith.constant 2 : i32
    %mul3A_0 = arith.muli %arg1, %mul3A : i32
    %add3A = arith.addi %mul3A_0, %arg0 : i32
    %mul3A_1 = arith.constant 6400 : i32
    %mul3A_2 = arith.muli %add3A, %mul3A_1 : i32
    "tpu.region"() ({
      %run_scoped3A = tpu.sem_alloc : memref<!tpu.dma_semaphore, #tpu.memory_space<semaphore_mem>>
      %dma_start3A_390 = tpu.memref_slice %arg3[%mul3A_2] : memref<204800xi32, #tpu.memory_space<hbm>> -> memref<6400xi32, #tpu.memory_space<hbm>>
      %dma_start3A_391 = tpu.memref_slice %arg3[%mul3A_2] : memref<204800xi32, #tpu.memory_space<hbm>> -> memref<6400xi32, #tpu.memory_space<hbm>>
      tpu.enqueue_dma source(%dma_start3A_391 : memref<6400xi32, #tpu.memory_space<hbm>>) target(%arg5 : memref<6400xi32, #tpu.memory_space<vmem>>) target_semaphore(%run_scoped3A : memref<!tpu.dma_semaphore, #tpu.memory_space<semaphore_mem>>)
      %dma_wait3A_392 = tpu.memref_slice %arg3[%mul3A_2] : memref<204800xi32, #tpu.memory_space<hbm>> -> memref<6400xi32, #tpu.memory_space<hbm>>
      %dma_wait3A_393 = tpu.memref_slice %arg3[%mul3A_2] : memref<204800xi32, #tpu.memory_space<hbm>> -> memref<6400xi32, #tpu.memory_space<hbm>>
      tpu.wait_dma2 semaphore(%run_scoped3A : memref<!tpu.dma_semaphore, #tpu.memory_space<semaphore_mem>>) src(%dma_wait3A_393 : memref<6400xi32, #tpu.memory_space<hbm>>) dst(%arg5 : memref<6400xi32, #tpu.memory_space<vmem>>)
      tpu.yield
    }) : () -> ()
    %dma_start3A = arith.constant 0 : i32
    %dma_start3A_3 = arith.constant 0 : i32
    %dma_start3A_4 = arith.constant 0 : i32
    %dma_start3A_5 = tpu.memref_slice %arg6[%dma_start3A, %dma_start3A_3, %dma_start3A_4] : memref<7x128x128xf32, #tpu.memory_space<vmem>> -> memref<1x128x128xf32, #tpu.memory_space<vmem>>
    %dma_start3A_6 = tpu.memref_squeeze %dma_start3A_5 : memref<1x128x128xf32, #tpu.memory_space<vmem>> -> memref<128x128xf32, #tpu.memory_space<vmem>>
    %dma_start3A_7 = arith.constant 0 : i32
    %dma_start3A_8 = tpu.memref_slice %arg5[%dma_start3A_7] : memref<6400xi32, #tpu.memory_space<vmem>> -> memref<128xi32, #tpu.memory_space<vmem>>
    %dma_start3A_9 = arith.constant 0 : i32
    %dma_start3A_10 = arith.constant 0 : i32
    %dma_start3A_11 = tpu.memref_slice %arg2[%dma_start3A_9, %dma_start3A_10] : memref<100000x128xf32, #tpu.memory_space<hbm>> -> memref<100000x128xf32, #tpu.memory_space<hbm>>
    tpu.enqueue_indirect_dma source(%dma_start3A_11 : memref<100000x128xf32, #tpu.memory_space<hbm>>) target(%dma_start3A_6 : memref<128x128xf32, #tpu.memory_space<vmem>>) offsets(%dma_start3A_8 : memref<128xi32, #tpu.memory_space<vmem>>) semaphore(%arg7 : memref<!tpu.dma_semaphore, #tpu.memory_space<semaphore_mem>>)
    %dma_start3A_12 = arith.constant 1 : i32
    %dma_start3A_13 = arith.constant 0 : i32
    %dma_start3A_14 = arith.constant 0 : i32
    %dma_start3A_15 = tpu.memref_slice %arg6[%dma_start3A_12, %dma_start3A_13, %dma_start3A_14] : memref<7x128x128xf32, #tpu.memory_space<vmem>> -> memref<1x128x128xf32, #tpu.memory_space<vmem>>
    %dma_start3A_16 = tpu.memref_squeeze %dma_start3A_15 : memref<1x128x128xf32, #tpu.memory_space<vmem>> -> memref<128x128xf32, #tpu.memory_space<vmem>>
    %dma_start3A_17 = arith.constant 128 : i32
    %dma_start3A_18 = tpu.memref_slice %arg5[%dma_start3A_17] : memref<6400xi32, #tpu.memory_space<vmem>> -> memref<128xi32, #tpu.memory_space<vmem>>
    %dma_start3A_19 = arith.constant 0 : i32
    %dma_start3A_20 = arith.constant 0 : i32
    %dma_start3A_21 = tpu.memref_slice %arg2[%dma_start3A_19, %dma_start3A_20] : memref<100000x128xf32, #tpu.memory_space<hbm>> -> memref<100000x128xf32, #tpu.memory_space<hbm>>
    tpu.enqueue_indirect_dma source(%dma_start3A_21 : memref<100000x128xf32, #tpu.memory_space<hbm>>) target(%dma_start3A_16 : memref<128x128xf32, #tpu.memory_space<vmem>>) offsets(%dma_start3A_18 : memref<128xi32, #tpu.memory_space<vmem>>) semaphore(%arg8 : memref<!tpu.dma_semaphore, #tpu.memory_space<semaphore_mem>>)
    %dma_start3A_22 = arith.constant 2 : i32
    %dma_start3A_23 = arith.constant 0 : i32
    %dma_start3A_24 = arith.constant 0 : i32
    %dma_start3A_25 = tpu.memref_slice %arg6[%dma_start3A_22, %dma_start3A_23, %dma_start3A_24] : memref<7x128x128xf32, #tpu.memory_space<vmem>> -> memref<1x128x128xf32, #tpu.memory_space<vmem>>
    %dma_start3A_26 = tpu.memref_squeeze %dma_start3A_25 : memref<1x128x128xf32, #tpu.memory_space<vmem>> -> memref<128x128xf32, #tpu.memory_space<vmem>>
    %dma_start3A_27 = arith.constant 256 : i32
    %dma_start3A_28 = tpu.memref_slice %arg5[%dma_start3A_27] : memref<6400xi32, #tpu.memory_space<vmem>> -> memref<128xi32, #tpu.memory_space<vmem>>
    %dma_start3A_29 = arith.constant 0 : i32
    %dma_start3A_30 = arith.constant 0 : i32
    %dma_start3A_31 = tpu.memref_slice %arg2[%dma_start3A_29, %dma_start3A_30] : memref<100000x128xf32, #tpu.memory_space<hbm>> -> memref<100000x128xf32, #tpu.memory_space<hbm>>
    tpu.enqueue_indirect_dma source(%dma_start3A_31 : memref<100000x128xf32, #tpu.memory_space<hbm>>) target(%dma_start3A_26 : memref<128x128xf32, #tpu.memory_space<vmem>>) offsets(%dma_start3A_28 : memref<128xi32, #tpu.memory_space<vmem>>) semaphore(%arg9 : memref<!tpu.dma_semaphore, #tpu.memory_space<semaphore_mem>>)
    %dma_start3A_32 = arith.constant 3 : i32
    %dma_start3A_33 = arith.constant 0 : i32
    %dma_start3A_34 = arith.constant 0 : i32
    %dma_start3A_35 = tpu.memref_slice %arg6[%dma_start3A_32, %dma_start3A_33, %dma_start3A_34] : memref<7x128x128xf32, #tpu.memory_space<vmem>> -> memref<1x128x128xf32, #tpu.memory_space<vmem>>
    %dma_start3A_36 = tpu.memref_squeeze %dma_start3A_35 : memref<1x128x128xf32, #tpu.memory_space<vmem>> -> memref<128x128xf32, #tpu.memory_space<vmem>>
    %dma_start3A_37 = arith.constant 384 : i32
    %dma_start3A_38 = tpu.memref_slice %arg5[%dma_start3A_37] : memref<6400xi32, #tpu.memory_space<vmem>> -> memref<128xi32, #tpu.memory_space<vmem>>
    %dma_start3A_39 = arith.constant 0 : i32
    %dma_start3A_40 = arith.constant 0 : i32
    %dma_start3A_41 = tpu.memref_slice %arg2[%dma_start3A_39, %dma_start3A_40] : memref<100000x128xf32, #tpu.memory_space<hbm>> -> memref<100000x128xf32, #tpu.memory_space<hbm>>
    tpu.enqueue_indirect_dma source(%dma_start3A_41 : memref<100000x128xf32, #tpu.memory_space<hbm>>) target(%dma_start3A_36 : memref<128x128xf32, #tpu.memory_space<vmem>>) offsets(%dma_start3A_38 : memref<128xi32, #tpu.memory_space<vmem>>) semaphore(%arg10 : memref<!tpu.dma_semaphore, #tpu.memory_space<semaphore_mem>>)
    %dma_start3A_42 = arith.constant 4 : i32
    %dma_start3A_43 = arith.constant 0 : i32
    %dma_start3A_44 = arith.constant 0 : i32
    %dma_start3A_45 = tpu.memref_slice %arg6[%dma_start3A_42, %dma_start3A_43, %dma_start3A_44] : memref<7x128x128xf32, #tpu.memory_space<vmem>> -> memref<1x128x128xf32, #tpu.memory_space<vmem>>
    %dma_start3A_46 = tpu.memref_squeeze %dma_start3A_45 : memref<1x128x128xf32, #tpu.memory_space<vmem>> -> memref<128x128xf32, #tpu.memory_space<vmem>>
    %dma_start3A_47 = arith.constant 512 : i32
    %dma_start3A_48 = tpu.memref_slice %arg5[%dma_start3A_47] : memref<6400xi32, #tpu.memory_space<vmem>> -> memref<128xi32, #tpu.memory_space<vmem>>
    %dma_start3A_49 = arith.constant 0 : i32
    %dma_start3A_50 = arith.constant 0 : i32
    %dma_start3A_51 = tpu.memref_slice %arg2[%dma_start3A_49, %dma_start3A_50] : memref<100000x128xf32, #tpu.memory_space<hbm>> -> memref<100000x128xf32, #tpu.memory_space<hbm>>
    tpu.enqueue_indirect_dma source(%dma_start3A_51 : memref<100000x128xf32, #tpu.memory_space<hbm>>) target(%dma_start3A_46 : memref<128x128xf32, #tpu.memory_space<vmem>>) offsets(%dma_start3A_48 : memref<128xi32, #tpu.memory_space<vmem>>) semaphore(%arg11 : memref<!tpu.dma_semaphore, #tpu.memory_space<semaphore_mem>>)
    %dma_start3A_52 = arith.constant 5 : i32
    %dma_start3A_53 = arith.constant 0 : i32
    %dma_start3A_54 = arith.constant 0 : i32
    %dma_start3A_55 = tpu.memref_slice %arg6[%dma_start3A_52, %dma_start3A_53, %dma_start3A_54] : memref<7x128x128xf32, #tpu.memory_space<vmem>> -> memref<1x128x128xf32, #tpu.memory_space<vmem>>
    %dma_start3A_56 = tpu.memref_squeeze %dma_start3A_55 : memref<1x128x128xf32, #tpu.memory_space<vmem>> -> memref<128x128xf32, #tpu.memory_space<vmem>>
    %dma_start3A_57 = arith.constant 640 : i32
    %dma_start3A_58 = tpu.memref_slice %arg5[%dma_start3A_57] : memref<6400xi32, #tpu.memory_space<vmem>> -> memref<128xi32, #tpu.memory_space<vmem>>
    %dma_start3A_59 = arith.constant 0 : i32
    %dma_start3A_60 = arith.constant 0 : i32
    %dma_start3A_61 = tpu.memref_slice %arg2[%dma_start3A_59, %dma_start3A_60] : memref<100000x128xf32, #tpu.memory_space<hbm>> -> memref<100000x128xf32, #tpu.memory_space<hbm>>
    tpu.enqueue_indirect_dma source(%dma_start3A_61 : memref<100000x128xf32, #tpu.memory_space<hbm>>) target(%dma_start3A_56 : memref<128x128xf32, #tpu.memory_space<vmem>>) offsets(%dma_start3A_58 : memref<128xi32, #tpu.memory_space<vmem>>) semaphore(%arg12 : memref<!tpu.dma_semaphore, #tpu.memory_space<semaphore_mem>>)
    %dma_wait3A = arith.constant 0 : i32
    %dma_wait3A_62 = arith.constant 0 : i32
    %dma_wait3A_63 = arith.constant 0 : i32
    %dma_wait3A_64 = tpu.memref_slice %arg6[%dma_wait3A, %dma_wait3A_62, %dma_wait3A_63] : memref<7x128x128xf32, #tpu.memory_space<vmem>> -> memref<1x128x128xf32, #tpu.memory_space<vmem>>
    %dma_wait3A_65 = tpu.memref_squeeze %dma_wait3A_64 : memref<1x128x128xf32, #tpu.memory_space<vmem>> -> memref<128x128xf32, #tpu.memory_space<vmem>>
    %dma_wait3A_66 = arith.constant 0 : i32
    %dma_wait3A_67 = tpu.memref_slice %arg5[%dma_wait3A_66] : memref<6400xi32, #tpu.memory_space<vmem>> -> memref<128xi32, #tpu.memory_space<vmem>>
    %dma_wait3A_68 = arith.constant 0 : i32
    %dma_wait3A_69 = arith.constant 0 : i32
    %dma_wait3A_70 = tpu.memref_slice %arg2[%dma_wait3A_68, %dma_wait3A_69] : memref<100000x128xf32, #tpu.memory_space<hbm>> -> memref<100000x128xf32, #tpu.memory_space<hbm>>
    tpu.wait_indirect_dma semaphore(%arg7 : memref<!tpu.dma_semaphore, #tpu.memory_space<semaphore_mem>>) src(%dma_wait3A_70 : memref<100000x128xf32, #tpu.memory_space<hbm>>) dst(%dma_wait3A_65 : memref<128x128xf32, #tpu.memory_space<vmem>>)
    %add3A_71 = arith.constant 0 : i32
    %add3A_72 = arith.addi %mul3A_2, %add3A_71 : i32
    %dma_start3A_73 = arith.constant 0 : i32
    %dma_start3A_74 = arith.constant 0 : i32
    %dma_start3A_75 = arith.constant 0 : i32
    %dma_start3A_76 = tpu.memref_slice %arg6[%dma_start3A_73, %dma_start3A_74, %dma_start3A_75] : memref<7x128x128xf32, #tpu.memory_space<vmem>> -> memref<1x128x128xf32, #tpu.memory_space<vmem>>
    %dma_start3A_77 = tpu.memref_squeeze %dma_start3A_76 : memref<1x128x128xf32, #tpu.memory_space<vmem>> -> memref<128x128xf32, #tpu.memory_space<vmem>>
    %dma_start3A_78 = arith.constant 0 : i32
    %dma_start3A_79 = tpu.memref_slice %arg4[%add3A_72, %dma_start3A_78] : memref<204800x128xf32, #tpu.memory_space<hbm>> -> memref<128x128xf32, #tpu.memory_space<hbm>>
    %dma_start3A_80 = arith.constant 0 : i32
    %dma_start3A_81 = tpu.memref_slice %arg4[%add3A_72, %dma_start3A_80] : memref<204800x128xf32, #tpu.memory_space<hbm>> -> memref<128x128xf32, #tpu.memory_space<hbm>>
    %dma_start3A_82 = arith.constant 0 : i32
    %dma_start3A_83 = arith.constant 0 : i32
    %dma_start3A_84 = tpu.memref_slice %arg6[%dma_start3A_73, %dma_start3A_82, %dma_start3A_83] : memref<7x128x128xf32, #tpu.memory_space<vmem>> -> memref<1x128x128xf32, #tpu.memory_space<vmem>>
    %dma_start3A_85 = tpu.memref_squeeze %dma_start3A_84 : memref<1x128x128xf32, #tpu.memory_space<vmem>> -> memref<128x128xf32, #tpu.memory_space<vmem>>
    tpu.enqueue_dma source(%dma_start3A_85 : memref<128x128xf32, #tpu.memory_space<vmem>>) target(%dma_start3A_81 : memref<128x128xf32, #tpu.memory_space<hbm>>) target_semaphore(%arg14 : memref<!tpu.dma_semaphore, #tpu.memory_space<semaphore_mem>>)
    %dma_start3A_86 = arith.constant 6 : i32
    %dma_start3A_87 = arith.constant 0 : i32
    %dma_start3A_88 = arith.constant 0 : i32
    %dma_start3A_89 = tpu.memref_slice %arg6[%dma_start3A_86, %dma_start3A_87, %dma_start3A_88] : memref<7x128x128xf32, #tpu.memory_space<vmem>> -> memref<1x128x128xf32, #tpu.memory_space<vmem>>
    %dma_start3A_90 = tpu.memref_squeeze %dma_start3A_89 : memref<1x128x128xf32, #tpu.memory_space<vmem>> -> memref<128x128xf32, #tpu.memory_space<vmem>>
    %dma_start3A_91 = arith.constant 768 : i32
    %dma_start3A_92 = tpu.memref_slice %arg5[%dma_start3A_91] : memref<6400xi32, #tpu.memory_space<vmem>> -> memref<128xi32, #tpu.memory_space<vmem>>
    %dma_start3A_93 = arith.constant 0 : i32
    %dma_start3A_94 = arith.constant 0 : i32
    %dma_start3A_95 = tpu.memref_slice %arg2[%dma_start3A_93, %dma_start3A_94] : memref<100000x128xf32, #tpu.memory_space<hbm>> -> memref<100000x128xf32, #tpu.memory_space<hbm>>
    tpu.enqueue_indirect_dma source(%dma_start3A_95 : memref<100000x128xf32, #tpu.memory_space<hbm>>) target(%dma_start3A_90 : memref<128x128xf32, #tpu.memory_space<vmem>>) offsets(%dma_start3A_92 : memref<128xi32, #tpu.memory_space<vmem>>) semaphore(%arg13 : memref<!tpu.dma_semaphore, #tpu.memory_space<semaphore_mem>>)
    %scan3A = arith.constant 0 : i32
    %scan3A_96 = arith.constant 0 : i32
    %scan3A_97 = arith.constant 6 : i32
    %scan3A_98 = arith.addi %scan3A_96, %scan3A_97 : i32
    %scan3A_99 = arith.constant 1 : i32
    scf.for %scan3A_390 = %scan3A_96 to %scan3A_98 step %scan3A_99  : i32 {
      %mul3A_391 = arith.constant 7 : i32
      %mul3A_392 = arith.muli %mul3A_391, %scan3A_390 : i32
      %add3A_393 = arith.constant 1 : i32
      %add3A_394 = arith.addi %add3A_393, %mul3A_392 : i32
      %add3A_395 = arith.constant 0 : i32
      %add3A_396 = arith.addi %add3A_394, %add3A_395 : i32
      %dma_wait3A_397 = arith.constant 1 : i32
      %dma_wait3A_398 = arith.constant 0 : i32
      %dma_wait3A_399 = arith.constant 0 : i32
      %dma_wait3A_400 = tpu.memref_slice %arg6[%dma_wait3A_397, %dma_wait3A_398, %dma_wait3A_399] : memref<7x128x128xf32, #tpu.memory_space<vmem>> -> memref<1x128x128xf32, #tpu.memory_space<vmem>>
      %dma_wait3A_401 = tpu.memref_squeeze %dma_wait3A_400 : memref<1x128x128xf32, #tpu.memory_space<vmem>> -> memref<128x128xf32, #tpu.memory_space<vmem>>
      %dma_wait3A_402 = arith.constant 0 : i32
      %dma_wait3A_403 = tpu.memref_slice %arg5[%dma_wait3A_402] : memref<6400xi32, #tpu.memory_space<vmem>> -> memref<128xi32, #tpu.memory_space<vmem>>
      %dma_wait3A_404 = arith.constant 0 : i32
      %dma_wait3A_405 = arith.constant 0 : i32
      %dma_wait3A_406 = tpu.memref_slice %arg2[%dma_wait3A_404, %dma_wait3A_405] : memref<100000x128xf32, #tpu.memory_space<hbm>> -> memref<100000x128xf32, #tpu.memory_space<hbm>>
      tpu.wait_indirect_dma semaphore(%arg8 : memref<!tpu.dma_semaphore, #tpu.memory_space<semaphore_mem>>) src(%dma_wait3A_406 : memref<100000x128xf32, #tpu.memory_space<hbm>>) dst(%dma_wait3A_401 : memref<128x128xf32, #tpu.memory_space<vmem>>)
      %mul3A_407 = arith.constant 128 : i32
      %mul3A_408 = arith.muli %add3A_396, %mul3A_407 : i32
      %add3A_409 = arith.addi %mul3A_2, %mul3A_408 : i32
      %dma_start3A_410 = arith.constant 1 : i32
      %dma_start3A_411 = arith.constant 0 : i32
      %dma_start3A_412 = arith.constant 0 : i32
      %dma_start3A_413 = tpu.memref_slice %arg6[%dma_start3A_410, %dma_start3A_411, %dma_start3A_412] : memref<7x128x128xf32, #tpu.memory_space<vmem>> -> memref<1x128x128xf32, #tpu.memory_space<vmem>>
      %dma_start3A_414 = tpu.memref_squeeze %dma_start3A_413 : memref<1x128x128xf32, #tpu.memory_space<vmem>> -> memref<128x128xf32, #tpu.memory_space<vmem>>
      %dma_start3A_415 = arith.constant 0 : i32
      %dma_start3A_416 = tpu.memref_slice %arg4[%add3A_409, %dma_start3A_415] : memref<204800x128xf32, #tpu.memory_space<hbm>> -> memref<128x128xf32, #tpu.memory_space<hbm>>
      %dma_start3A_417 = arith.constant 0 : i32
      %dma_start3A_418 = tpu.memref_slice %arg4[%add3A_409, %dma_start3A_417] : memref<204800x128xf32, #tpu.memory_space<hbm>> -> memref<128x128xf32, #tpu.memory_space<hbm>>
      %dma_start3A_419 = arith.constant 0 : i32
      %dma_start3A_420 = arith.constant 0 : i32
      %dma_start3A_421 = tpu.memref_slice %arg6[%dma_start3A_410, %dma_start3A_419, %dma_start3A_420] : memref<7x128x128xf32, #tpu.memory_space<vmem>> -> memref<1x128x128xf32, #tpu.memory_space<vmem>>
      %dma_start3A_422 = tpu.memref_squeeze %dma_start3A_421 : memref<1x128x128xf32, #tpu.memory_space<vmem>> -> memref<128x128xf32, #tpu.memory_space<vmem>>
      tpu.enqueue_dma source(%dma_start3A_422 : memref<128x128xf32, #tpu.memory_space<vmem>>) target(%dma_start3A_418 : memref<128x128xf32, #tpu.memory_space<hbm>>) target_semaphore(%arg15 : memref<!tpu.dma_semaphore, #tpu.memory_space<semaphore_mem>>)
      %dma_wait3A_423 = arith.constant 0 : i32
      %dma_wait3A_424 = arith.constant 0 : i32
      %dma_wait3A_425 = arith.constant 0 : i32
      %dma_wait3A_426 = tpu.memref_slice %arg6[%dma_wait3A_423, %dma_wait3A_424, %dma_wait3A_425] : memref<7x128x128xf32, #tpu.memory_space<vmem>> -> memref<1x128x128xf32, #tpu.memory_space<vmem>>
      %dma_wait3A_427 = tpu.memref_squeeze %dma_wait3A_426 : memref<1x128x128xf32, #tpu.memory_space<vmem>> -> memref<128x128xf32, #tpu.memory_space<vmem>>
      %dma_wait3A_428 = arith.constant 0 : i32
      %dma_wait3A_429 = tpu.memref_slice %arg4[%mul3A_2, %dma_wait3A_428] : memref<204800x128xf32, #tpu.memory_space<hbm>> -> memref<128x128xf32, #tpu.memory_space<hbm>>
      %dma_wait3A_430 = arith.constant 0 : i32
      %dma_wait3A_431 = tpu.memref_slice %arg4[%mul3A_2, %dma_wait3A_430] : memref<204800x128xf32, #tpu.memory_space<hbm>> -> memref<128x128xf32, #tpu.memory_space<hbm>>
      %dma_wait3A_432 = arith.constant 0 : i32
      %dma_wait3A_433 = arith.constant 0 : i32
      %dma_wait3A_434 = tpu.memref_slice %arg6[%dma_wait3A_423, %dma_wait3A_432, %dma_wait3A_433] : memref<7x128x128xf32, #tpu.memory_space<vmem>> -> memref<1x128x128xf32, #tpu.memory_space<vmem>>
      %dma_wait3A_435 = tpu.memref_squeeze %dma_wait3A_434 : memref<1x128x128xf32, #tpu.memory_space<vmem>> -> memref<128x128xf32, #tpu.memory_space<vmem>>
      tpu.wait_dma2 semaphore(%arg14 : memref<!tpu.dma_semaphore, #tpu.memory_space<semaphore_mem>>) src(%dma_wait3A_435 : memref<128x128xf32, #tpu.memory_space<vmem>>) dst(%dma_wait3A_431 : memref<128x128xf32, #tpu.memory_space<hbm>>)
      %add3A_436 = arith.constant 6 : i32
      %add3A_437 = arith.addi %add3A_396, %add3A_436 : i32
      %mul3A_438 = arith.constant 128 : i32
      %mul3A_439 = arith.muli %add3A_437, %mul3A_438 : i32
      %dma_start3A_440 = arith.constant 0 : i32
      %dma_start3A_441 = arith.constant 0 : i32
      %dma_start3A_442 = arith.constant 0 : i32
      %dma_start3A_443 = tpu.memref_slice %arg6[%dma_start3A_440, %dma_start3A_441, %dma_start3A_442] : memref<7x128x128xf32, #tpu.memory_space<vmem>> -> memref<1x128x128xf32, #tpu.memory_space<vmem>>
      %dma_start3A_444 = tpu.memref_squeeze %dma_start3A_443 : memref<1x128x128xf32, #tpu.memory_space<vmem>> -> memref<128x128xf32, #tpu.memory_space<vmem>>
      %dma_start3A_445 = tpu.memref_slice %arg5[%mul3A_439] : memref<6400xi32, #tpu.memory_space<vmem>> -> memref<128xi32, #tpu.memory_space<vmem>>
      %dma_start3A_446 = arith.constant 0 : i32
      %dma_start3A_447 = arith.constant 0 : i32
      %dma_start3A_448 = tpu.memref_slice %arg2[%dma_start3A_446, %dma_start3A_447] : memref<100000x128xf32, #tpu.memory_space<hbm>> -> memref<100000x128xf32, #tpu.memory_space<hbm>>
      tpu.enqueue_indirect_dma source(%dma_start3A_448 : memref<100000x128xf32, #tpu.memory_space<hbm>>) target(%dma_start3A_444 : memref<128x128xf32, #tpu.memory_space<vmem>>) offsets(%dma_start3A_445 : memref<128xi32, #tpu.memory_space<vmem>>) semaphore(%arg7 : memref<!tpu.dma_semaphore, #tpu.memory_space<semaphore_mem>>)
      %add3A_449 = arith.constant 1 : i32
      %add3A_450 = arith.addi %add3A_394, %add3A_449 : i32
      %dma_wait3A_451 = arith.constant 2 : i32
      %dma_wait3A_452 = arith.constant 0 : i32
      %dma_wait3A_453 = arith.constant 0 : i32
      %dma_wait3A_454 = tpu.memref_slice %arg6[%dma_wait3A_451, %dma_wait3A_452, %dma_wait3A_453] : memref<7x128x128xf32, #tpu.memory_space<vmem>> -> memref<1x128x128xf32, #tpu.memory_space<vmem>>
      %dma_wait3A_455 = tpu.memref_squeeze %dma_wait3A_454 : memref<1x128x128xf32, #tpu.memory_space<vmem>> -> memref<128x128xf32, #tpu.memory_space<vmem>>
      %dma_wait3A_456 = arith.constant 0 : i32
      %dma_wait3A_457 = tpu.memref_slice %arg5[%dma_wait3A_456] : memref<6400xi32, #tpu.memory_space<vmem>> -> memref<128xi32, #tpu.memory_space<vmem>>
      %dma_wait3A_458 = arith.constant 0 : i32
      %dma_wait3A_459 = arith.constant 0 : i32
      %dma_wait3A_460 = tpu.memref_slice %arg2[%dma_wait3A_458, %dma_wait3A_459] : memref<100000x128xf32, #tpu.memory_space<hbm>> -> memref<100000x128xf32, #tpu.memory_space<hbm>>
      tpu.wait_indirect_dma semaphore(%arg9 : memref<!tpu.dma_semaphore, #tpu.memory_space<semaphore_mem>>) src(%dma_wait3A_460 : memref<100000x128xf32, #tpu.memory_space<hbm>>) dst(%dma_wait3A_455 : memref<128x128xf32, #tpu.memory_space<vmem>>)
      %mul3A_461 = arith.constant 128 : i32
      %mul3A_462 = arith.muli %add3A_450, %mul3A_461 : i32
      %add3A_463 = arith.addi %mul3A_2, %mul3A_462 : i32
      %dma_start3A_464 = arith.constant 2 : i32
      %dma_start3A_465 = arith.constant 0 : i32
      %dma_start3A_466 = arith.constant 0 : i32
      %dma_start3A_467 = tpu.memref_slice %arg6[%dma_start3A_464, %dma_start3A_465, %dma_start3A_466] : memref<7x128x128xf32, #tpu.memory_space<vmem>> -> memref<1x128x128xf32, #tpu.memory_space<vmem>>
      %dma_start3A_468 = tpu.memref_squeeze %dma_start3A_467 : memref<1x128x128xf32, #tpu.memory_space<vmem>> -> memref<128x128xf32, #tpu.memory_space<vmem>>
      %dma_start3A_469 = arith.constant 0 : i32
      %dma_start3A_470 = tpu.memref_slice %arg4[%add3A_463, %dma_start3A_469] : memref<204800x128xf32, #tpu.memory_space<hbm>> -> memref<128x128xf32, #tpu.memory_space<hbm>>
      %dma_start3A_471 = arith.constant 0 : i32
      %dma_start3A_472 = tpu.memref_slice %arg4[%add3A_463, %dma_start3A_471] : memref<204800x128xf32, #tpu.memory_space<hbm>> -> memref<128x128xf32, #tpu.memory_space<hbm>>
      %dma_start3A_473 = arith.constant 0 : i32
      %dma_start3A_474 = arith.constant 0 : i32
      %dma_start3A_475 = tpu.memref_slice %arg6[%dma_start3A_464, %dma_start3A_473, %dma_start3A_474] : memref<7x128x128xf32, #tpu.memory_space<vmem>> -> memref<1x128x128xf32, #tpu.memory_space<vmem>>
      %dma_start3A_476 = tpu.memref_squeeze %dma_start3A_475 : memref<1x128x128xf32, #tpu.memory_space<vmem>> -> memref<128x128xf32, #tpu.memory_space<vmem>>
      tpu.enqueue_dma source(%dma_start3A_476 : memref<128x128xf32, #tpu.memory_space<vmem>>) target(%dma_start3A_472 : memref<128x128xf32, #tpu.memory_space<hbm>>) target_semaphore(%arg16 : memref<!tpu.dma_semaphore, #tpu.memory_space<semaphore_mem>>)
      %dma_wait3A_477 = arith.constant 1 : i32
      %dma_wait3A_478 = arith.constant 0 : i32
      %dma_wait3A_479 = arith.constant 0 : i32
      %dma_wait3A_480 = tpu.memref_slice %arg6[%dma_wait3A_477, %dma_wait3A_478, %dma_wait3A_479] : memref<7x128x128xf32, #tpu.memory_space<vmem>> -> memref<1x128x128xf32, #tpu.memory_space<vmem>>
      %dma_wait3A_481 = tpu.memref_squeeze %dma_wait3A_480 : memref<1x128x128xf32, #tpu.memory_space<vmem>> -> memref<128x128xf32, #tpu.memory_space<vmem>>
      %dma_wait3A_482 = arith.constant 0 : i32
      %dma_wait3A_483 = tpu.memref_slice %arg4[%mul3A_2, %dma_wait3A_482] : memref<204800x128xf32, #tpu.memory_space<hbm>> -> memref<128x128xf32, #tpu.memory_space<hbm>>
      %dma_wait3A_484 = arith.constant 0 : i32
      %dma_wait3A_485 = tpu.memref_slice %arg4[%mul3A_2, %dma_wait3A_484] : memref<204800x128xf32, #tpu.memory_space<hbm>> -> memref<128x128xf32, #tpu.memory_space<hbm>>
      %dma_wait3A_486 = arith.constant 0 : i32
      %dma_wait3A_487 = arith.constant 0 : i32
      %dma_wait3A_488 = tpu.memref_slice %arg6[%dma_wait3A_477, %dma_wait3A_486, %dma_wait3A_487] : memref<7x128x128xf32, #tpu.memory_space<vmem>> -> memref<1x128x128xf32, #tpu.memory_space<vmem>>
      %dma_wait3A_489 = tpu.memref_squeeze %dma_wait3A_488 : memref<1x128x128xf32, #tpu.memory_space<vmem>> -> memref<128x128xf32, #tpu.memory_space<vmem>>
      tpu.wait_dma2 semaphore(%arg15 : memref<!tpu.dma_semaphore, #tpu.memory_space<semaphore_mem>>) src(%dma_wait3A_489 : memref<128x128xf32, #tpu.memory_space<vmem>>) dst(%dma_wait3A_485 : memref<128x128xf32, #tpu.memory_space<hbm>>)
      %add3A_490 = arith.constant 6 : i32
      %add3A_491 = arith.addi %add3A_450, %add3A_490 : i32
      %mul3A_492 = arith.constant 128 : i32
      %mul3A_493 = arith.muli %add3A_491, %mul3A_492 : i32
      %dma_start3A_494 = arith.constant 1 : i32
      %dma_start3A_495 = arith.constant 0 : i32
      %dma_start3A_496 = arith.constant 0 : i32
      %dma_start3A_497 = tpu.memref_slice %arg6[%dma_start3A_494, %dma_start3A_495, %dma_start3A_496] : memref<7x128x128xf32, #tpu.memory_space<vmem>> -> memref<1x128x128xf32, #tpu.memory_space<vmem>>
      %dma_start3A_498 = tpu.memref_squeeze %dma_start3A_497 : memref<1x128x128xf32, #tpu.memory_space<vmem>> -> memref<128x128xf32, #tpu.memory_space<vmem>>
      %dma_start3A_499 = tpu.memref_slice %arg5[%mul3A_493] : memref<6400xi32, #tpu.memory_space<vmem>> -> memref<128xi32, #tpu.memory_space<vmem>>
      %dma_start3A_500 = arith.constant 0 : i32
      %dma_start3A_501 = arith.constant 0 : i32
      %dma_start3A_502 = tpu.memref_slice %arg2[%dma_start3A_500, %dma_start3A_501] : memref<100000x128xf32, #tpu.memory_space<hbm>> -> memref<100000x128xf32, #tpu.memory_space<hbm>>
      tpu.enqueue_indirect_dma source(%dma_start3A_502 : memref<100000x128xf32, #tpu.memory_space<hbm>>) target(%dma_start3A_498 : memref<128x128xf32, #tpu.memory_space<vmem>>) offsets(%dma_start3A_499 : memref<128xi32, #tpu.memory_space<vmem>>) semaphore(%arg8 : memref<!tpu.dma_semaphore, #tpu.memory_space<semaphore_mem>>)
      %add3A_503 = arith.constant 2 : i32
      %add3A_504 = arith.addi %add3A_394, %add3A_503 : i32
      %dma_wait3A_505 = arith.constant 3 : i32
      %dma_wait3A_506 = arith.constant 0 : i32
      %dma_wait3A_507 = arith.constant 0 : i32
      %dma_wait3A_508 = tpu.memref_slice %arg6[%dma_wait3A_505, %dma_wait3A_506, %dma_wait3A_507] : memref<7x128x128xf32, #tpu.memory_space<vmem>> -> memref<1x128x128xf32, #tpu.memory_space<vmem>>
      %dma_wait3A_509 = tpu.memref_squeeze %dma_wait3A_508 : memref<1x128x128xf32, #tpu.memory_space<vmem>> -> memref<128x128xf32, #tpu.memory_space<vmem>>
      %dma_wait3A_510 = arith.constant 0 : i32
      %dma_wait3A_511 = tpu.memref_slice %arg5[%dma_wait3A_510] : memref<6400xi32, #tpu.memory_space<vmem>> -> memref<128xi32, #tpu.memory_space<vmem>>
      %dma_wait3A_512 = arith.constant 0 : i32
      %dma_wait3A_513 = arith.constant 0 : i32
      %dma_wait3A_514 = tpu.memref_slice %arg2[%dma_wait3A_512, %dma_wait3A_513] : memref<100000x128xf32, #tpu.memory_space<hbm>> -> memref<100000x128xf32, #tpu.memory_space<hbm>>
      tpu.wait_indirect_dma semaphore(%arg10 : memref<!tpu.dma_semaphore, #tpu.memory_space<semaphore_mem>>) src(%dma_wait3A_514 : memref<100000x128xf32, #tpu.memory_space<hbm>>) dst(%dma_wait3A_509 : memref<128x128xf32, #tpu.memory_space<vmem>>)
      %mul3A_515 = arith.constant 128 : i32
      %mul3A_516 = arith.muli %add3A_504, %mul3A_515 : i32
      %add3A_517 = arith.addi %mul3A_2, %mul3A_516 : i32
      %dma_start3A_518 = arith.constant 3 : i32
      %dma_start3A_519 = arith.constant 0 : i32
      %dma_start3A_520 = arith.constant 0 : i32
      %dma_start3A_521 = tpu.memref_slice %arg6[%dma_start3A_518, %dma_start3A_519, %dma_start3A_520] : memref<7x128x128xf32, #tpu.memory_space<vmem>> -> memref<1x128x128xf32, #tpu.memory_space<vmem>>
      %dma_start3A_522 = tpu.memref_squeeze %dma_start3A_521 : memref<1x128x128xf32, #tpu.memory_space<vmem>> -> memref<128x128xf32, #tpu.memory_space<vmem>>
      %dma_start3A_523 = arith.constant 0 : i32
      %dma_start3A_524 = tpu.memref_slice %arg4[%add3A_517, %dma_start3A_523] : memref<204800x128xf32, #tpu.memory_space<hbm>> -> memref<128x128xf32, #tpu.memory_space<hbm>>
      %dma_start3A_525 = arith.constant 0 : i32
      %dma_start3A_526 = tpu.memref_slice %arg4[%add3A_517, %dma_start3A_525] : memref<204800x128xf32, #tpu.memory_space<hbm>> -> memref<128x128xf32, #tpu.memory_space<hbm>>
      %dma_start3A_527 = arith.constant 0 : i32
      %dma_start3A_528 = arith.constant 0 : i32
      %dma_start3A_529 = tpu.memref_slice %arg6[%dma_start3A_518, %dma_start3A_527, %dma_start3A_528] : memref<7x128x128xf32, #tpu.memory_space<vmem>> -> memref<1x128x128xf32, #tpu.memory_space<vmem>>
      %dma_start3A_530 = tpu.memref_squeeze %dma_start3A_529 : memref<1x128x128xf32, #tpu.memory_space<vmem>> -> memref<128x128xf32, #tpu.memory_space<vmem>>
      tpu.enqueue_dma source(%dma_start3A_530 : memref<128x128xf32, #tpu.memory_space<vmem>>) target(%dma_start3A_526 : memref<128x128xf32, #tpu.memory_space<hbm>>) target_semaphore(%arg17 : memref<!tpu.dma_semaphore, #tpu.memory_space<semaphore_mem>>)
      %dma_wait3A_531 = arith.constant 2 : i32
      %dma_wait3A_532 = arith.constant 0 : i32
      %dma_wait3A_533 = arith.constant 0 : i32
      %dma_wait3A_534 = tpu.memref_slice %arg6[%dma_wait3A_531, %dma_wait3A_532, %dma_wait3A_533] : memref<7x128x128xf32, #tpu.memory_space<vmem>> -> memref<1x128x128xf32, #tpu.memory_space<vmem>>
      %dma_wait3A_535 = tpu.memref_squeeze %dma_wait3A_534 : memref<1x128x128xf32, #tpu.memory_space<vmem>> -> memref<128x128xf32, #tpu.memory_space<vmem>>
      %dma_wait3A_536 = arith.constant 0 : i32
      %dma_wait3A_537 = tpu.memref_slice %arg4[%mul3A_2, %dma_wait3A_536] : memref<204800x128xf32, #tpu.memory_space<hbm>> -> memref<128x128xf32, #tpu.memory_space<hbm>>
      %dma_wait3A_538 = arith.constant 0 : i32
      %dma_wait3A_539 = tpu.memref_slice %arg4[%mul3A_2, %dma_wait3A_538] : memref<204800x128xf32, #tpu.memory_space<hbm>> -> memref<128x128xf32, #tpu.memory_space<hbm>>
      %dma_wait3A_540 = arith.constant 0 : i32
      %dma_wait3A_541 = arith.constant 0 : i32
      %dma_wait3A_542 = tpu.memref_slice %arg6[%dma_wait3A_531, %dma_wait3A_540, %dma_wait3A_541] : memref<7x128x128xf32, #tpu.memory_space<vmem>> -> memref<1x128x128xf32, #tpu.memory_space<vmem>>
      %dma_wait3A_543 = tpu.memref_squeeze %dma_wait3A_542 : memref<1x128x128xf32, #tpu.memory_space<vmem>> -> memref<128x128xf32, #tpu.memory_space<vmem>>
      tpu.wait_dma2 semaphore(%arg16 : memref<!tpu.dma_semaphore, #tpu.memory_space<semaphore_mem>>) src(%dma_wait3A_543 : memref<128x128xf32, #tpu.memory_space<vmem>>) dst(%dma_wait3A_539 : memref<128x128xf32, #tpu.memory_space<hbm>>)
      %add3A_544 = arith.constant 6 : i32
      %add3A_545 = arith.addi %add3A_504, %add3A_544 : i32
      %mul3A_546 = arith.constant 128 : i32
      %mul3A_547 = arith.muli %add3A_545, %mul3A_546 : i32
      %dma_start3A_548 = arith.constant 2 : i32
      %dma_start3A_549 = arith.constant 0 : i32
      %dma_start3A_550 = arith.constant 0 : i32
      %dma_start3A_551 = tpu.memref_slice %arg6[%dma_start3A_548, %dma_start3A_549, %dma_start3A_550] : memref<7x128x128xf32, #tpu.memory_space<vmem>> -> memref<1x128x128xf32, #tpu.memory_space<vmem>>
      %dma_start3A_552 = tpu.memref_squeeze %dma_start3A_551 : memref<1x128x128xf32, #tpu.memory_space<vmem>> -> memref<128x128xf32, #tpu.memory_space<vmem>>
      %dma_start3A_553 = tpu.memref_slice %arg5[%mul3A_547] : memref<6400xi32, #tpu.memory_space<vmem>> -> memref<128xi32, #tpu.memory_space<vmem>>
      %dma_start3A_554 = arith.constant 0 : i32
      %dma_start3A_555 = arith.constant 0 : i32
      %dma_start3A_556 = tpu.memref_slice %arg2[%dma_start3A_554, %dma_start3A_555] : memref<100000x128xf32, #tpu.memory_space<hbm>> -> memref<100000x128xf32, #tpu.memory_space<hbm>>
      tpu.enqueue_indirect_dma source(%dma_start3A_556 : memref<100000x128xf32, #tpu.memory_space<hbm>>) target(%dma_start3A_552 : memref<128x128xf32, #tpu.memory_space<vmem>>) offsets(%dma_start3A_553 : memref<128xi32, #tpu.memory_space<vmem>>) semaphore(%arg9 : memref<!tpu.dma_semaphore, #tpu.memory_space<semaphore_mem>>)
      %add3A_557 = arith.constant 3 : i32
      %add3A_558 = arith.addi %add3A_394, %add3A_557 : i32
      %dma_wait3A_559 = arith.constant 4 : i32
      %dma_wait3A_560 = arith.constant 0 : i32
      %dma_wait3A_561 = arith.constant 0 : i32
      %dma_wait3A_562 = tpu.memref_slice %arg6[%dma_wait3A_559, %dma_wait3A_560, %dma_wait3A_561] : memref<7x128x128xf32, #tpu.memory_space<vmem>> -> memref<1x128x128xf32, #tpu.memory_space<vmem>>
      %dma_wait3A_563 = tpu.memref_squeeze %dma_wait3A_562 : memref<1x128x128xf32, #tpu.memory_space<vmem>> -> memref<128x128xf32, #tpu.memory_space<vmem>>
      %dma_wait3A_564 = arith.constant 0 : i32
      %dma_wait3A_565 = tpu.memref_slice %arg5[%dma_wait3A_564] : memref<6400xi32, #tpu.memory_space<vmem>> -> memref<128xi32, #tpu.memory_space<vmem>>
      %dma_wait3A_566 = arith.constant 0 : i32
      %dma_wait3A_567 = arith.constant 0 : i32
      %dma_wait3A_568 = tpu.memref_slice %arg2[%dma_wait3A_566, %dma_wait3A_567] : memref<100000x128xf32, #tpu.memory_space<hbm>> -> memref<100000x128xf32, #tpu.memory_space<hbm>>
      tpu.wait_indirect_dma semaphore(%arg11 : memref<!tpu.dma_semaphore, #tpu.memory_space<semaphore_mem>>) src(%dma_wait3A_568 : memref<100000x128xf32, #tpu.memory_space<hbm>>) dst(%dma_wait3A_563 : memref<128x128xf32, #tpu.memory_space<vmem>>)
      %mul3A_569 = arith.constant 128 : i32
      %mul3A_570 = arith.muli %add3A_558, %mul3A_569 : i32
      %add3A_571 = arith.addi %mul3A_2, %mul3A_570 : i32
      %dma_start3A_572 = arith.constant 4 : i32
      %dma_start3A_573 = arith.constant 0 : i32
      %dma_start3A_574 = arith.constant 0 : i32
      %dma_start3A_575 = tpu.memref_slice %arg6[%dma_start3A_572, %dma_start3A_573, %dma_start3A_574] : memref<7x128x128xf32, #tpu.memory_space<vmem>> -> memref<1x128x128xf32, #tpu.memory_space<vmem>>
      %dma_start3A_576 = tpu.memref_squeeze %dma_start3A_575 : memref<1x128x128xf32, #tpu.memory_space<vmem>> -> memref<128x128xf32, #tpu.memory_space<vmem>>
      %dma_start3A_577 = arith.constant 0 : i32
      %dma_start3A_578 = tpu.memref_slice %arg4[%add3A_571, %dma_start3A_577] : memref<204800x128xf32, #tpu.memory_space<hbm>> -> memref<128x128xf32, #tpu.memory_space<hbm>>
      %dma_start3A_579 = arith.constant 0 : i32
      %dma_start3A_580 = tpu.memref_slice %arg4[%add3A_571, %dma_start3A_579] : memref<204800x128xf32, #tpu.memory_space<hbm>> -> memref<128x128xf32, #tpu.memory_space<hbm>>
      %dma_start3A_581 = arith.constant 0 : i32
      %dma_start3A_582 = arith.constant 0 : i32
      %dma_start3A_583 = tpu.memref_slice %arg6[%dma_start3A_572, %dma_start3A_581, %dma_start3A_582] : memref<7x128x128xf32, #tpu.memory_space<vmem>> -> memref<1x128x128xf32, #tpu.memory_space<vmem>>
      %dma_start3A_584 = tpu.memref_squeeze %dma_start3A_583 : memref<1x128x128xf32, #tpu.memory_space<vmem>> -> memref<128x128xf32, #tpu.memory_space<vmem>>
      tpu.enqueue_dma source(%dma_start3A_584 : memref<128x128xf32, #tpu.memory_space<vmem>>) target(%dma_start3A_580 : memref<128x128xf32, #tpu.memory_space<hbm>>) target_semaphore(%arg18 : memref<!tpu.dma_semaphore, #tpu.memory_space<semaphore_mem>>)
      %dma_wait3A_585 = arith.constant 3 : i32
      %dma_wait3A_586 = arith.constant 0 : i32
      %dma_wait3A_587 = arith.constant 0 : i32
      %dma_wait3A_588 = tpu.memref_slice %arg6[%dma_wait3A_585, %dma_wait3A_586, %dma_wait3A_587] : memref<7x128x128xf32, #tpu.memory_space<vmem>> -> memref<1x128x128xf32, #tpu.memory_space<vmem>>
      %dma_wait3A_589 = tpu.memref_squeeze %dma_wait3A_588 : memref<1x128x128xf32, #tpu.memory_space<vmem>> -> memref<128x128xf32, #tpu.memory_space<vmem>>
      %dma_wait3A_590 = arith.constant 0 : i32
      %dma_wait3A_591 = tpu.memref_slice %arg4[%mul3A_2, %dma_wait3A_590] : memref<204800x128xf32, #tpu.memory_space<hbm>> -> memref<128x128xf32, #tpu.memory_space<hbm>>
      %dma_wait3A_592 = arith.constant 0 : i32
      %dma_wait3A_593 = tpu.memref_slice %arg4[%mul3A_2, %dma_wait3A_592] : memref<204800x128xf32, #tpu.memory_space<hbm>> -> memref<128x128xf32, #tpu.memory_space<hbm>>
      %dma_wait3A_594 = arith.constant 0 : i32
      %dma_wait3A_595 = arith.constant 0 : i32
      %dma_wait3A_596 = tpu.memref_slice %arg6[%dma_wait3A_585, %dma_wait3A_594, %dma_wait3A_595] : memref<7x128x128xf32, #tpu.memory_space<vmem>> -> memref<1x128x128xf32, #tpu.memory_space<vmem>>
      %dma_wait3A_597 = tpu.memref_squeeze %dma_wait3A_596 : memref<1x128x128xf32, #tpu.memory_space<vmem>> -> memref<128x128xf32, #tpu.memory_space<vmem>>
      tpu.wait_dma2 semaphore(%arg17 : memref<!tpu.dma_semaphore, #tpu.memory_space<semaphore_mem>>) src(%dma_wait3A_597 : memref<128x128xf32, #tpu.memory_space<vmem>>) dst(%dma_wait3A_593 : memref<128x128xf32, #tpu.memory_space<hbm>>)
      %add3A_598 = arith.constant 6 : i32
      %add3A_599 = arith.addi %add3A_558, %add3A_598 : i32
      %mul3A_600 = arith.constant 128 : i32
      %mul3A_601 = arith.muli %add3A_599, %mul3A_600 : i32
      %dma_start3A_602 = arith.constant 3 : i32
      %dma_start3A_603 = arith.constant 0 : i32
      %dma_start3A_604 = arith.constant 0 : i32
      %dma_start3A_605 = tpu.memref_slice %arg6[%dma_start3A_602, %dma_start3A_603, %dma_start3A_604] : memref<7x128x128xf32, #tpu.memory_space<vmem>> -> memref<1x128x128xf32, #tpu.memory_space<vmem>>
      %dma_start3A_606 = tpu.memref_squeeze %dma_start3A_605 : memref<1x128x128xf32, #tpu.memory_space<vmem>> -> memref<128x128xf32, #tpu.memory_space<vmem>>
      %dma_start3A_607 = tpu.memref_slice %arg5[%mul3A_601] : memref<6400xi32, #tpu.memory_space<vmem>> -> memref<128xi32, #tpu.memory_space<vmem>>
      %dma_start3A_608 = arith.constant 0 : i32
      %dma_start3A_609 = arith.constant 0 : i32
      %dma_start3A_610 = tpu.memref_slice %arg2[%dma_start3A_608, %dma_start3A_609] : memref<100000x128xf32, #tpu.memory_space<hbm>> -> memref<100000x128xf32, #tpu.memory_space<hbm>>
      tpu.enqueue_indirect_dma source(%dma_start3A_610 : memref<100000x128xf32, #tpu.memory_space<hbm>>) target(%dma_start3A_606 : memref<128x128xf32, #tpu.memory_space<vmem>>) offsets(%dma_start3A_607 : memref<128xi32, #tpu.memory_space<vmem>>) semaphore(%arg10 : memref<!tpu.dma_semaphore, #tpu.memory_space<semaphore_mem>>)
      %add3A_611 = arith.constant 4 : i32
      %add3A_612 = arith.addi %add3A_394, %add3A_611 : i32
      %dma_wait3A_613 = arith.constant 5 : i32
      %dma_wait3A_614 = arith.constant 0 : i32
      %dma_wait3A_615 = arith.constant 0 : i32
      %dma_wait3A_616 = tpu.memref_slice %arg6[%dma_wait3A_613, %dma_wait3A_614, %dma_wait3A_615] : memref<7x128x128xf32, #tpu.memory_space<vmem>> -> memref<1x128x128xf32, #tpu.memory_space<vmem>>
      %dma_wait3A_617 = tpu.memref_squeeze %dma_wait3A_616 : memref<1x128x128xf32, #tpu.memory_space<vmem>> -> memref<128x128xf32, #tpu.memory_space<vmem>>
      %dma_wait3A_618 = arith.constant 0 : i32
      %dma_wait3A_619 = tpu.memref_slice %arg5[%dma_wait3A_618] : memref<6400xi32, #tpu.memory_space<vmem>> -> memref<128xi32, #tpu.memory_space<vmem>>
      %dma_wait3A_620 = arith.constant 0 : i32
      %dma_wait3A_621 = arith.constant 0 : i32
      %dma_wait3A_622 = tpu.memref_slice %arg2[%dma_wait3A_620, %dma_wait3A_621] : memref<100000x128xf32, #tpu.memory_space<hbm>> -> memref<100000x128xf32, #tpu.memory_space<hbm>>
      tpu.wait_indirect_dma semaphore(%arg12 : memref<!tpu.dma_semaphore, #tpu.memory_space<semaphore_mem>>) src(%dma_wait3A_622 : memref<100000x128xf32, #tpu.memory_space<hbm>>) dst(%dma_wait3A_617 : memref<128x128xf32, #tpu.memory_space<vmem>>)
      %mul3A_623 = arith.constant 128 : i32
      %mul3A_624 = arith.muli %add3A_612, %mul3A_623 : i32
      %add3A_625 = arith.addi %mul3A_2, %mul3A_624 : i32
      %dma_start3A_626 = arith.constant 5 : i32
      %dma_start3A_627 = arith.constant 0 : i32
      %dma_start3A_628 = arith.constant 0 : i32
      %dma_start3A_629 = tpu.memref_slice %arg6[%dma_start3A_626, %dma_start3A_627, %dma_start3A_628] : memref<7x128x128xf32, #tpu.memory_space<vmem>> -> memref<1x128x128xf32, #tpu.memory_space<vmem>>
      %dma_start3A_630 = tpu.memref_squeeze %dma_start3A_629 : memref<1x128x128xf32, #tpu.memory_space<vmem>> -> memref<128x128xf32, #tpu.memory_space<vmem>>
      %dma_start3A_631 = arith.constant 0 : i32
      %dma_start3A_632 = tpu.memref_slice %arg4[%add3A_625, %dma_start3A_631] : memref<204800x128xf32, #tpu.memory_space<hbm>> -> memref<128x128xf32, #tpu.memory_space<hbm>>
      %dma_start3A_633 = arith.constant 0 : i32
      %dma_start3A_634 = tpu.memref_slice %arg4[%add3A_625, %dma_start3A_633] : memref<204800x128xf32, #tpu.memory_space<hbm>> -> memref<128x128xf32, #tpu.memory_space<hbm>>
      %dma_start3A_635 = arith.constant 0 : i32
      %dma_start3A_636 = arith.constant 0 : i32
      %dma_start3A_637 = tpu.memref_slice %arg6[%dma_start3A_626, %dma_start3A_635, %dma_start3A_636] : memref<7x128x128xf32, #tpu.memory_space<vmem>> -> memref<1x128x128xf32, #tpu.memory_space<vmem>>
      %dma_start3A_638 = tpu.memref_squeeze %dma_start3A_637 : memref<1x128x128xf32, #tpu.memory_space<vmem>> -> memref<128x128xf32, #tpu.memory_space<vmem>>
      tpu.enqueue_dma source(%dma_start3A_638 : memref<128x128xf32, #tpu.memory_space<vmem>>) target(%dma_start3A_634 : memref<128x128xf32, #tpu.memory_space<hbm>>) target_semaphore(%arg19 : memref<!tpu.dma_semaphore, #tpu.memory_space<semaphore_mem>>)
      %dma_wait3A_639 = arith.constant 4 : i32
      %dma_wait3A_640 = arith.constant 0 : i32
      %dma_wait3A_641 = arith.constant 0 : i32
      %dma_wait3A_642 = tpu.memref_slice %arg6[%dma_wait3A_639, %dma_wait3A_640, %dma_wait3A_641] : memref<7x128x128xf32, #tpu.memory_space<vmem>> -> memref<1x128x128xf32, #tpu.memory_space<vmem>>
      %dma_wait3A_643 = tpu.memref_squeeze %dma_wait3A_642 : memref<1x128x128xf32, #tpu.memory_space<vmem>> -> memref<128x128xf32, #tpu.memory_space<vmem>>
      %dma_wait3A_644 = arith.constant 0 : i32
      %dma_wait3A_645 = tpu.memref_slice %arg4[%mul3A_2, %dma_wait3A_644] : memref<204800x128xf32, #tpu.memory_space<hbm>> -> memref<128x128xf32, #tpu.memory_space<hbm>>
      %dma_wait3A_646 = arith.constant 0 : i32
      %dma_wait3A_647 = tpu.memref_slice %arg4[%mul3A_2, %dma_wait3A_646] : memref<204800x128xf32, #tpu.memory_space<hbm>> -> memref<128x128xf32, #tpu.memory_space<hbm>>
      %dma_wait3A_648 = arith.constant 0 : i32
      %dma_wait3A_649 = arith.constant 0 : i32
      %dma_wait3A_650 = tpu.memref_slice %arg6[%dma_wait3A_639, %dma_wait3A_648, %dma_wait3A_649] : memref<7x128x128xf32, #tpu.memory_space<vmem>> -> memref<1x128x128xf32, #tpu.memory_space<vmem>>
      %dma_wait3A_651 = tpu.memref_squeeze %dma_wait3A_650 : memref<1x128x128xf32, #tpu.memory_space<vmem>> -> memref<128x128xf32, #tpu.memory_space<vmem>>
      tpu.wait_dma2 semaphore(%arg18 : memref<!tpu.dma_semaphore, #tpu.memory_space<semaphore_mem>>) src(%dma_wait3A_651 : memref<128x128xf32, #tpu.memory_space<vmem>>) dst(%dma_wait3A_647 : memref<128x128xf32, #tpu.memory_space<hbm>>)
      %add3A_652 = arith.constant 6 : i32
      %add3A_653 = arith.addi %add3A_612, %add3A_652 : i32
      %mul3A_654 = arith.constant 128 : i32
      %mul3A_655 = arith.muli %add3A_653, %mul3A_654 : i32
      %dma_start3A_656 = arith.constant 4 : i32
      %dma_start3A_657 = arith.constant 0 : i32
      %dma_start3A_658 = arith.constant 0 : i32
      %dma_start3A_659 = tpu.memref_slice %arg6[%dma_start3A_656, %dma_start3A_657, %dma_start3A_658] : memref<7x128x128xf32, #tpu.memory_space<vmem>> -> memref<1x128x128xf32, #tpu.memory_space<vmem>>
      %dma_start3A_660 = tpu.memref_squeeze %dma_start3A_659 : memref<1x128x128xf32, #tpu.memory_space<vmem>> -> memref<128x128xf32, #tpu.memory_space<vmem>>
      %dma_start3A_661 = tpu.memref_slice %arg5[%mul3A_655] : memref<6400xi32, #tpu.memory_space<vmem>> -> memref<128xi32, #tpu.memory_space<vmem>>
      %dma_start3A_662 = arith.constant 0 : i32
      %dma_start3A_663 = arith.constant 0 : i32
      %dma_start3A_664 = tpu.memref_slice %arg2[%dma_start3A_662, %dma_start3A_663] : memref<100000x128xf32, #tpu.memory_space<hbm>> -> memref<100000x128xf32, #tpu.memory_space<hbm>>
      tpu.enqueue_indirect_dma source(%dma_start3A_664 : memref<100000x128xf32, #tpu.memory_space<hbm>>) target(%dma_start3A_660 : memref<128x128xf32, #tpu.memory_space<vmem>>) offsets(%dma_start3A_661 : memref<128xi32, #tpu.memory_space<vmem>>) semaphore(%arg11 : memref<!tpu.dma_semaphore, #tpu.memory_space<semaphore_mem>>)
      %add3A_665 = arith.constant 5 : i32
      %add3A_666 = arith.addi %add3A_394, %add3A_665 : i32
      %dma_wait3A_667 = arith.constant 6 : i32
      %dma_wait3A_668 = arith.constant 0 : i32
      %dma_wait3A_669 = arith.constant 0 : i32
      %dma_wait3A_670 = tpu.memref_slice %arg6[%dma_wait3A_667, %dma_wait3A_668, %dma_wait3A_669] : memref<7x128x128xf32, #tpu.memory_space<vmem>> -> memref<1x128x128xf32, #tpu.memory_space<vmem>>
      %dma_wait3A_671 = tpu.memref_squeeze %dma_wait3A_670 : memref<1x128x128xf32, #tpu.memory_space<vmem>> -> memref<128x128xf32, #tpu.memory_space<vmem>>
      %dma_wait3A_672 = arith.constant 0 : i32
      %dma_wait3A_673 = tpu.memref_slice %arg5[%dma_wait3A_672] : memref<6400xi32, #tpu.memory_space<vmem>> -> memref<128xi32, #tpu.memory_space<vmem>>
      %dma_wait3A_674 = arith.constant 0 : i32
      %dma_wait3A_675 = arith.constant 0 : i32
      %dma_wait3A_676 = tpu.memref_slice %arg2[%dma_wait3A_674, %dma_wait3A_675] : memref<100000x128xf32, #tpu.memory_space<hbm>> -> memref<100000x128xf32, #tpu.memory_space<hbm>>
      tpu.wait_indirect_dma semaphore(%arg13 : memref<!tpu.dma_semaphore, #tpu.memory_space<semaphore_mem>>) src(%dma_wait3A_676 : memref<100000x128xf32, #tpu.memory_space<hbm>>) dst(%dma_wait3A_671 : memref<128x128xf32, #tpu.memory_space<vmem>>)
      %mul3A_677 = arith.constant 128 : i32
      %mul3A_678 = arith.muli %add3A_666, %mul3A_677 : i32
      %add3A_679 = arith.addi %mul3A_2, %mul3A_678 : i32
      %dma_start3A_680 = arith.constant 6 : i32
      %dma_start3A_681 = arith.constant 0 : i32
      %dma_start3A_682 = arith.constant 0 : i32
      %dma_start3A_683 = tpu.memref_slice %arg6[%dma_start3A_680, %dma_start3A_681, %dma_start3A_682] : memref<7x128x128xf32, #tpu.memory_space<vmem>> -> memref<1x128x128xf32, #tpu.memory_space<vmem>>
      %dma_start3A_684 = tpu.memref_squeeze %dma_start3A_683 : memref<1x128x128xf32, #tpu.memory_space<vmem>> -> memref<128x128xf32, #tpu.memory_space<vmem>>
      %dma_start3A_685 = arith.constant 0 : i32
      %dma_start3A_686 = tpu.memref_slice %arg4[%add3A_679, %dma_start3A_685] : memref<204800x128xf32, #tpu.memory_space<hbm>> -> memref<128x128xf32, #tpu.memory_space<hbm>>
      %dma_start3A_687 = arith.constant 0 : i32
      %dma_start3A_688 = tpu.memref_slice %arg4[%add3A_679, %dma_start3A_687] : memref<204800x128xf32, #tpu.memory_space<hbm>> -> memref<128x128xf32, #tpu.memory_space<hbm>>
      %dma_start3A_689 = arith.constant 0 : i32
      %dma_start3A_690 = arith.constant 0 : i32
      %dma_start3A_691 = tpu.memref_slice %arg6[%dma_start3A_680, %dma_start3A_689, %dma_start3A_690] : memref<7x128x128xf32, #tpu.memory_space<vmem>> -> memref<1x128x128xf32, #tpu.memory_space<vmem>>
      %dma_start3A_692 = tpu.memref_squeeze %dma_start3A_691 : memref<1x128x128xf32, #tpu.memory_space<vmem>> -> memref<128x128xf32, #tpu.memory_space<vmem>>
      tpu.enqueue_dma source(%dma_start3A_692 : memref<128x128xf32, #tpu.memory_space<vmem>>) target(%dma_start3A_688 : memref<128x128xf32, #tpu.memory_space<hbm>>) target_semaphore(%arg20 : memref<!tpu.dma_semaphore, #tpu.memory_space<semaphore_mem>>)
      %dma_wait3A_693 = arith.constant 5 : i32
      %dma_wait3A_694 = arith.constant 0 : i32
      %dma_wait3A_695 = arith.constant 0 : i32
      %dma_wait3A_696 = tpu.memref_slice %arg6[%dma_wait3A_693, %dma_wait3A_694, %dma_wait3A_695] : memref<7x128x128xf32, #tpu.memory_space<vmem>> -> memref<1x128x128xf32, #tpu.memory_space<vmem>>
      %dma_wait3A_697 = tpu.memref_squeeze %dma_wait3A_696 : memref<1x128x128xf32, #tpu.memory_space<vmem>> -> memref<128x128xf32, #tpu.memory_space<vmem>>
      %dma_wait3A_698 = arith.constant 0 : i32
      %dma_wait3A_699 = tpu.memref_slice %arg4[%mul3A_2, %dma_wait3A_698] : memref<204800x128xf32, #tpu.memory_space<hbm>> -> memref<128x128xf32, #tpu.memory_space<hbm>>
      %dma_wait3A_700 = arith.constant 0 : i32
      %dma_wait3A_701 = tpu.memref_slice %arg4[%mul3A_2, %dma_wait3A_700] : memref<204800x128xf32, #tpu.memory_space<hbm>> -> memref<128x128xf32, #tpu.memory_space<hbm>>
      %dma_wait3A_702 = arith.constant 0 : i32
      %dma_wait3A_703 = arith.constant 0 : i32
      %dma_wait3A_704 = tpu.memref_slice %arg6[%dma_wait3A_693, %dma_wait3A_702, %dma_wait3A_703] : memref<7x128x128xf32, #tpu.memory_space<vmem>> -> memref<1x128x128xf32, #tpu.memory_space<vmem>>
      %dma_wait3A_705 = tpu.memref_squeeze %dma_wait3A_704 : memref<1x128x128xf32, #tpu.memory_space<vmem>> -> memref<128x128xf32, #tpu.memory_space<vmem>>
      tpu.wait_dma2 semaphore(%arg19 : memref<!tpu.dma_semaphore, #tpu.memory_space<semaphore_mem>>) src(%dma_wait3A_705 : memref<128x128xf32, #tpu.memory_space<vmem>>) dst(%dma_wait3A_701 : memref<128x128xf32, #tpu.memory_space<hbm>>)
      %add3A_706 = arith.constant 6 : i32
      %add3A_707 = arith.addi %add3A_666, %add3A_706 : i32
      %mul3A_708 = arith.constant 128 : i32
      %mul3A_709 = arith.muli %add3A_707, %mul3A_708 : i32
      %dma_start3A_710 = arith.constant 5 : i32
      %dma_start3A_711 = arith.constant 0 : i32
      %dma_start3A_712 = arith.constant 0 : i32
      %dma_start3A_713 = tpu.memref_slice %arg6[%dma_start3A_710, %dma_start3A_711, %dma_start3A_712] : memref<7x128x128xf32, #tpu.memory_space<vmem>> -> memref<1x128x128xf32, #tpu.memory_space<vmem>>
      %dma_start3A_714 = tpu.memref_squeeze %dma_start3A_713 : memref<1x128x128xf32, #tpu.memory_space<vmem>> -> memref<128x128xf32, #tpu.memory_space<vmem>>
      %dma_start3A_715 = tpu.memref_slice %arg5[%mul3A_709] : memref<6400xi32, #tpu.memory_space<vmem>> -> memref<128xi32, #tpu.memory_space<vmem>>
      %dma_start3A_716 = arith.constant 0 : i32
      %dma_start3A_717 = arith.constant 0 : i32
      %dma_start3A_718 = tpu.memref_slice %arg2[%dma_start3A_716, %dma_start3A_717] : memref<100000x128xf32, #tpu.memory_space<hbm>> -> memref<100000x128xf32, #tpu.memory_space<hbm>>
      tpu.enqueue_indirect_dma source(%dma_start3A_718 : memref<100000x128xf32, #tpu.memory_space<hbm>>) target(%dma_start3A_714 : memref<128x128xf32, #tpu.memory_space<vmem>>) offsets(%dma_start3A_715 : memref<128xi32, #tpu.memory_space<vmem>>) semaphore(%arg12 : memref<!tpu.dma_semaphore, #tpu.memory_space<semaphore_mem>>)
      %add3A_719 = arith.constant 6 : i32
      %add3A_720 = arith.addi %add3A_394, %add3A_719 : i32
      %dma_wait3A_721 = arith.constant 0 : i32
      %dma_wait3A_722 = arith.constant 0 : i32
      %dma_wait3A_723 = arith.constant 0 : i32
      %dma_wait3A_724 = tpu.memref_slice %arg6[%dma_wait3A_721, %dma_wait3A_722, %dma_wait3A_723] : memref<7x128x128xf32, #tpu.memory_space<vmem>> -> memref<1x128x128xf32, #tpu.memory_space<vmem>>
      %dma_wait3A_725 = tpu.memref_squeeze %dma_wait3A_724 : memref<1x128x128xf32, #tpu.memory_space<vmem>> -> memref<128x128xf32, #tpu.memory_space<vmem>>
      %dma_wait3A_726 = arith.constant 0 : i32
      %dma_wait3A_727 = tpu.memref_slice %arg5[%dma_wait3A_726] : memref<6400xi32, #tpu.memory_space<vmem>> -> memref<128xi32, #tpu.memory_space<vmem>>
      %dma_wait3A_728 = arith.constant 0 : i32
      %dma_wait3A_729 = arith.constant 0 : i32
      %dma_wait3A_730 = tpu.memref_slice %arg2[%dma_wait3A_728, %dma_wait3A_729] : memref<100000x128xf32, #tpu.memory_space<hbm>> -> memref<100000x128xf32, #tpu.memory_space<hbm>>
      tpu.wait_indirect_dma semaphore(%arg7 : memref<!tpu.dma_semaphore, #tpu.memory_space<semaphore_mem>>) src(%dma_wait3A_730 : memref<100000x128xf32, #tpu.memory_space<hbm>>) dst(%dma_wait3A_725 : memref<128x128xf32, #tpu.memory_space<vmem>>)
      %mul3A_731 = arith.constant 128 : i32
      %mul3A_732 = arith.muli %add3A_720, %mul3A_731 : i32
      %add3A_733 = arith.addi %mul3A_2, %mul3A_732 : i32
      %dma_start3A_734 = arith.constant 0 : i32
      %dma_start3A_735 = arith.constant 0 : i32
      %dma_start3A_736 = arith.constant 0 : i32
      %dma_start3A_737 = tpu.memref_slice %arg6[%dma_start3A_734, %dma_start3A_735, %dma_start3A_736] : memref<7x128x128xf32, #tpu.memory_space<vmem>> -> memref<1x128x128xf32, #tpu.memory_space<vmem>>
      %dma_start3A_738 = tpu.memref_squeeze %dma_start3A_737 : memref<1x128x128xf32, #tpu.memory_space<vmem>> -> memref<128x128xf32, #tpu.memory_space<vmem>>
      %dma_start3A_739 = arith.constant 0 : i32
      %dma_start3A_740 = tpu.memref_slice %arg4[%add3A_733, %dma_start3A_739] : memref<204800x128xf32, #tpu.memory_space<hbm>> -> memref<128x128xf32, #tpu.memory_space<hbm>>
      %dma_start3A_741 = arith.constant 0 : i32
      %dma_start3A_742 = tpu.memref_slice %arg4[%add3A_733, %dma_start3A_741] : memref<204800x128xf32, #tpu.memory_space<hbm>> -> memref<128x128xf32, #tpu.memory_space<hbm>>
      %dma_start3A_743 = arith.constant 0 : i32
      %dma_start3A_744 = arith.constant 0 : i32
      %dma_start3A_745 = tpu.memref_slice %arg6[%dma_start3A_734, %dma_start3A_743, %dma_start3A_744] : memref<7x128x128xf32, #tpu.memory_space<vmem>> -> memref<1x128x128xf32, #tpu.memory_space<vmem>>
      %dma_start3A_746 = tpu.memref_squeeze %dma_start3A_745 : memref<1x128x128xf32, #tpu.memory_space<vmem>> -> memref<128x128xf32, #tpu.memory_space<vmem>>
      tpu.enqueue_dma source(%dma_start3A_746 : memref<128x128xf32, #tpu.memory_space<vmem>>) target(%dma_start3A_742 : memref<128x128xf32, #tpu.memory_space<hbm>>) target_semaphore(%arg14 : memref<!tpu.dma_semaphore, #tpu.memory_space<semaphore_mem>>)
      %dma_wait3A_747 = arith.constant 6 : i32
      %dma_wait3A_748 = arith.constant 0 : i32
      %dma_wait3A_749 = arith.constant 0 : i32
      %dma_wait3A_750 = tpu.memref_slice %arg6[%dma_wait3A_747, %dma_wait3A_748, %dma_wait3A_749] : memref<7x128x128xf32, #tpu.memory_space<vmem>> -> memref<1x128x128xf32, #tpu.memory_space<vmem>>
      %dma_wait3A_751 = tpu.memref_squeeze %dma_wait3A_750 : memref<1x128x128xf32, #tpu.memory_space<vmem>> -> memref<128x128xf32, #tpu.memory_space<vmem>>
      %dma_wait3A_752 = arith.constant 0 : i32
      %dma_wait3A_753 = tpu.memref_slice %arg4[%mul3A_2, %dma_wait3A_752] : memref<204800x128xf32, #tpu.memory_space<hbm>> -> memref<128x128xf32, #tpu.memory_space<hbm>>
      %dma_wait3A_754 = arith.constant 0 : i32
      %dma_wait3A_755 = tpu.memref_slice %arg4[%mul3A_2, %dma_wait3A_754] : memref<204800x128xf32, #tpu.memory_space<hbm>> -> memref<128x128xf32, #tpu.memory_space<hbm>>
      %dma_wait3A_756 = arith.constant 0 : i32
      %dma_wait3A_757 = arith.constant 0 : i32
      %dma_wait3A_758 = tpu.memref_slice %arg6[%dma_wait3A_747, %dma_wait3A_756, %dma_wait3A_757] : memref<7x128x128xf32, #tpu.memory_space<vmem>> -> memref<1x128x128xf32, #tpu.memory_space<vmem>>
      %dma_wait3A_759 = tpu.memref_squeeze %dma_wait3A_758 : memref<1x128x128xf32, #tpu.memory_space<vmem>> -> memref<128x128xf32, #tpu.memory_space<vmem>>
      tpu.wait_dma2 semaphore(%arg20 : memref<!tpu.dma_semaphore, #tpu.memory_space<semaphore_mem>>) src(%dma_wait3A_759 : memref<128x128xf32, #tpu.memory_space<vmem>>) dst(%dma_wait3A_755 : memref<128x128xf32, #tpu.memory_space<hbm>>)
      %add3A_760 = arith.constant 6 : i32
      %add3A_761 = arith.addi %add3A_720, %add3A_760 : i32
      %mul3A_762 = arith.constant 128 : i32
      %mul3A_763 = arith.muli %add3A_761, %mul3A_762 : i32
      %dma_start3A_764 = arith.constant 6 : i32
      %dma_start3A_765 = arith.constant 0 : i32
      %dma_start3A_766 = arith.constant 0 : i32
      %dma_start3A_767 = tpu.memref_slice %arg6[%dma_start3A_764, %dma_start3A_765, %dma_start3A_766] : memref<7x128x128xf32, #tpu.memory_space<vmem>> -> memref<1x128x128xf32, #tpu.memory_space<vmem>>
      %dma_start3A_768 = tpu.memref_squeeze %dma_start3A_767 : memref<1x128x128xf32, #tpu.memory_space<vmem>> -> memref<128x128xf32, #tpu.memory_space<vmem>>
      %dma_start3A_769 = tpu.memref_slice %arg5[%mul3A_763] : memref<6400xi32, #tpu.memory_space<vmem>> -> memref<128xi32, #tpu.memory_space<vmem>>
      %dma_start3A_770 = arith.constant 0 : i32
      %dma_start3A_771 = arith.constant 0 : i32
      %dma_start3A_772 = tpu.memref_slice %arg2[%dma_start3A_770, %dma_start3A_771] : memref<100000x128xf32, #tpu.memory_space<hbm>> -> memref<100000x128xf32, #tpu.memory_space<hbm>>
      tpu.enqueue_indirect_dma source(%dma_start3A_772 : memref<100000x128xf32, #tpu.memory_space<hbm>>) target(%dma_start3A_768 : memref<128x128xf32, #tpu.memory_space<vmem>>) offsets(%dma_start3A_769 : memref<128xi32, #tpu.memory_space<vmem>>) semaphore(%arg13 : memref<!tpu.dma_semaphore, #tpu.memory_space<semaphore_mem>>)
    }
    %scan3A_100 = arith.constant 6 : i32
    %dma_wait3A_101 = arith.constant 1 : i32
    %dma_wait3A_102 = arith.constant 0 : i32
    %dma_wait3A_103 = arith.constant 0 : i32
    %dma_wait3A_104 = tpu.memref_slice %arg6[%dma_wait3A_101, %dma_wait3A_102, %dma_wait3A_103] : memref<7x128x128xf32, #tpu.memory_space<vmem>> -> memref<1x128x128xf32, #tpu.memory_space<vmem>>
    %dma_wait3A_105 = tpu.memref_squeeze %dma_wait3A_104 : memref<1x128x128xf32, #tpu.memory_space<vmem>> -> memref<128x128xf32, #tpu.memory_space<vmem>>
    %dma_wait3A_106 = arith.constant 0 : i32
    %dma_wait3A_107 = tpu.memref_slice %arg5[%dma_wait3A_106] : memref<6400xi32, #tpu.memory_space<vmem>> -> memref<128xi32, #tpu.memory_space<vmem>>
    %dma_wait3A_108 = arith.constant 0 : i32
    %dma_wait3A_109 = arith.constant 0 : i32
    %dma_wait3A_110 = tpu.memref_slice %arg2[%dma_wait3A_108, %dma_wait3A_109] : memref<100000x128xf32, #tpu.memory_space<hbm>> -> memref<100000x128xf32, #tpu.memory_space<hbm>>
    tpu.wait_indirect_dma semaphore(%arg8 : memref<!tpu.dma_semaphore, #tpu.memory_space<semaphore_mem>>) src(%dma_wait3A_110 : memref<100000x128xf32, #tpu.memory_space<hbm>>) dst(%dma_wait3A_105 : memref<128x128xf32, #tpu.memory_space<vmem>>)
    %add3A_111 = arith.constant 5504 : i32
    %add3A_112 = arith.addi %mul3A_2, %add3A_111 : i32
    %dma_start3A_113 = arith.constant 1 : i32
    %dma_start3A_114 = arith.constant 0 : i32
    %dma_start3A_115 = arith.constant 0 : i32
    %dma_start3A_116 = tpu.memref_slice %arg6[%dma_start3A_113, %dma_start3A_114, %dma_start3A_115] : memref<7x128x128xf32, #tpu.memory_space<vmem>> -> memref<1x128x128xf32, #tpu.memory_space<vmem>>
    %dma_start3A_117 = tpu.memref_squeeze %dma_start3A_116 : memref<1x128x128xf32, #tpu.memory_space<vmem>> -> memref<128x128xf32, #tpu.memory_space<vmem>>
    %dma_start3A_118 = arith.constant 0 : i32
    %dma_start3A_119 = tpu.memref_slice %arg4[%add3A_112, %dma_start3A_118] : memref<204800x128xf32, #tpu.memory_space<hbm>> -> memref<128x128xf32, #tpu.memory_space<hbm>>
    %dma_start3A_120 = arith.constant 0 : i32
    %dma_start3A_121 = tpu.memref_slice %arg4[%add3A_112, %dma_start3A_120] : memref<204800x128xf32, #tpu.memory_space<hbm>> -> memref<128x128xf32, #tpu.memory_space<hbm>>
    %dma_start3A_122 = arith.constant 0 : i32
    %dma_start3A_123 = arith.constant 0 : i32
    %dma_start3A_124 = tpu.memref_slice %arg6[%dma_start3A_113, %dma_start3A_122, %dma_start3A_123] : memref<7x128x128xf32, #tpu.memory_space<vmem>> -> memref<1x128x128xf32, #tpu.memory_space<vmem>>
    %dma_start3A_125 = tpu.memref_squeeze %dma_start3A_124 : memref<1x128x128xf32, #tpu.memory_space<vmem>> -> memref<128x128xf32, #tpu.memory_space<vmem>>
    tpu.enqueue_dma source(%dma_start3A_125 : memref<128x128xf32, #tpu.memory_space<vmem>>) target(%dma_start3A_121 : memref<128x128xf32, #tpu.memory_space<hbm>>) target_semaphore(%arg15 : memref<!tpu.dma_semaphore, #tpu.memory_space<semaphore_mem>>)
    %dma_wait3A_126 = arith.constant 0 : i32
    %dma_wait3A_127 = arith.constant 0 : i32
    %dma_wait3A_128 = arith.constant 0 : i32
    %dma_wait3A_129 = tpu.memref_slice %arg6[%dma_wait3A_126, %dma_wait3A_127, %dma_wait3A_128] : memref<7x128x128xf32, #tpu.memory_space<vmem>> -> memref<1x128x128xf32, #tpu.memory_space<vmem>>
    %dma_wait3A_130 = tpu.memref_squeeze %dma_wait3A_129 : memref<1x128x128xf32, #tpu.memory_space<vmem>> -> memref<128x128xf32, #tpu.memory_space<vmem>>
    %dma_wait3A_131 = arith.constant 0 : i32
    %dma_wait3A_132 = tpu.memref_slice %arg4[%mul3A_2, %dma_wait3A_131] : memref<204800x128xf32, #tpu.memory_space<hbm>> -> memref<128x128xf32, #tpu.memory_space<hbm>>
    %dma_wait3A_133 = arith.constant 0 : i32
    %dma_wait3A_134 = tpu.memref_slice %arg4[%mul3A_2, %dma_wait3A_133] : memref<204800x128xf32, #tpu.memory_space<hbm>> -> memref<128x128xf32, #tpu.memory_space<hbm>>
    %dma_wait3A_135 = arith.constant 0 : i32
    %dma_wait3A_136 = arith.constant 0 : i32
    %dma_wait3A_137 = tpu.memref_slice %arg6[%dma_wait3A_126, %dma_wait3A_135, %dma_wait3A_136] : memref<7x128x128xf32, #tpu.memory_space<vmem>> -> memref<1x128x128xf32, #tpu.memory_space<vmem>>
    %dma_wait3A_138 = tpu.memref_squeeze %dma_wait3A_137 : memref<1x128x128xf32, #tpu.memory_space<vmem>> -> memref<128x128xf32, #tpu.memory_space<vmem>>
    tpu.wait_dma2 semaphore(%arg14 : memref<!tpu.dma_semaphore, #tpu.memory_space<semaphore_mem>>) src(%dma_wait3A_138 : memref<128x128xf32, #tpu.memory_space<vmem>>) dst(%dma_wait3A_134 : memref<128x128xf32, #tpu.memory_space<hbm>>)
    %dma_start3A_139 = arith.constant 0 : i32
    %dma_start3A_140 = arith.constant 0 : i32
    %dma_start3A_141 = arith.constant 0 : i32
    %dma_start3A_142 = tpu.memref_slice %arg6[%dma_start3A_139, %dma_start3A_140, %dma_start3A_141] : memref<7x128x128xf32, #tpu.memory_space<vmem>> -> memref<1x128x128xf32, #tpu.memory_space<vmem>>
    %dma_start3A_143 = tpu.memref_squeeze %dma_start3A_142 : memref<1x128x128xf32, #tpu.memory_space<vmem>> -> memref<128x128xf32, #tpu.memory_space<vmem>>
    %dma_start3A_144 = arith.constant 6272 : i32
    %dma_start3A_145 = tpu.memref_slice %arg5[%dma_start3A_144] : memref<6400xi32, #tpu.memory_space<vmem>> -> memref<128xi32, #tpu.memory_space<vmem>>
    %dma_start3A_146 = arith.constant 0 : i32
    %dma_start3A_147 = arith.constant 0 : i32
    %dma_start3A_148 = tpu.memref_slice %arg2[%dma_start3A_146, %dma_start3A_147] : memref<100000x128xf32, #tpu.memory_space<hbm>> -> memref<100000x128xf32, #tpu.memory_space<hbm>>
    tpu.enqueue_indirect_dma source(%dma_start3A_148 : memref<100000x128xf32, #tpu.memory_space<hbm>>) target(%dma_start3A_143 : memref<128x128xf32, #tpu.memory_space<vmem>>) offsets(%dma_start3A_145 : memref<128xi32, #tpu.memory_space<vmem>>) semaphore(%arg7 : memref<!tpu.dma_semaphore, #tpu.memory_space<semaphore_mem>>)
    %dma_wait3A_149 = arith.constant 2 : i32
    %dma_wait3A_150 = arith.constant 0 : i32
    %dma_wait3A_151 = arith.constant 0 : i32
    %dma_wait3A_152 = tpu.memref_slice %arg6[%dma_wait3A_149, %dma_wait3A_150, %dma_wait3A_151] : memref<7x128x128xf32, #tpu.memory_space<vmem>> -> memref<1x128x128xf32, #tpu.memory_space<vmem>>
    %dma_wait3A_153 = tpu.memref_squeeze %dma_wait3A_152 : memref<1x128x128xf32, #tpu.memory_space<vmem>> -> memref<128x128xf32, #tpu.memory_space<vmem>>
    %dma_wait3A_154 = arith.constant 0 : i32
    %dma_wait3A_155 = tpu.memref_slice %arg5[%dma_wait3A_154] : memref<6400xi32, #tpu.memory_space<vmem>> -> memref<128xi32, #tpu.memory_space<vmem>>
    %dma_wait3A_156 = arith.constant 0 : i32
    %dma_wait3A_157 = arith.constant 0 : i32
    %dma_wait3A_158 = tpu.memref_slice %arg2[%dma_wait3A_156, %dma_wait3A_157] : memref<100000x128xf32, #tpu.memory_space<hbm>> -> memref<100000x128xf32, #tpu.memory_space<hbm>>
    tpu.wait_indirect_dma semaphore(%arg9 : memref<!tpu.dma_semaphore, #tpu.memory_space<semaphore_mem>>) src(%dma_wait3A_158 : memref<100000x128xf32, #tpu.memory_space<hbm>>) dst(%dma_wait3A_153 : memref<128x128xf32, #tpu.memory_space<vmem>>)
    %add3A_159 = arith.constant 5632 : i32
    %add3A_160 = arith.addi %mul3A_2, %add3A_159 : i32
    %dma_start3A_161 = arith.constant 2 : i32
    %dma_start3A_162 = arith.constant 0 : i32
    %dma_start3A_163 = arith.constant 0 : i32
    %dma_start3A_164 = tpu.memref_slice %arg6[%dma_start3A_161, %dma_start3A_162, %dma_start3A_163] : memref<7x128x128xf32, #tpu.memory_space<vmem>> -> memref<1x128x128xf32, #tpu.memory_space<vmem>>
    %dma_start3A_165 = tpu.memref_squeeze %dma_start3A_164 : memref<1x128x128xf32, #tpu.memory_space<vmem>> -> memref<128x128xf32, #tpu.memory_space<vmem>>
    %dma_start3A_166 = arith.constant 0 : i32
    %dma_start3A_167 = tpu.memref_slice %arg4[%add3A_160, %dma_start3A_166] : memref<204800x128xf32, #tpu.memory_space<hbm>> -> memref<128x128xf32, #tpu.memory_space<hbm>>
    %dma_start3A_168 = arith.constant 0 : i32
    %dma_start3A_169 = tpu.memref_slice %arg4[%add3A_160, %dma_start3A_168] : memref<204800x128xf32, #tpu.memory_space<hbm>> -> memref<128x128xf32, #tpu.memory_space<hbm>>
    %dma_start3A_170 = arith.constant 0 : i32
    %dma_start3A_171 = arith.constant 0 : i32
    %dma_start3A_172 = tpu.memref_slice %arg6[%dma_start3A_161, %dma_start3A_170, %dma_start3A_171] : memref<7x128x128xf32, #tpu.memory_space<vmem>> -> memref<1x128x128xf32, #tpu.memory_space<vmem>>
    %dma_start3A_173 = tpu.memref_squeeze %dma_start3A_172 : memref<1x128x128xf32, #tpu.memory_space<vmem>> -> memref<128x128xf32, #tpu.memory_space<vmem>>
    tpu.enqueue_dma source(%dma_start3A_173 : memref<128x128xf32, #tpu.memory_space<vmem>>) target(%dma_start3A_169 : memref<128x128xf32, #tpu.memory_space<hbm>>) target_semaphore(%arg16 : memref<!tpu.dma_semaphore, #tpu.memory_space<semaphore_mem>>)
    %dma_wait3A_174 = arith.constant 1 : i32
    %dma_wait3A_175 = arith.constant 0 : i32
    %dma_wait3A_176 = arith.constant 0 : i32
    %dma_wait3A_177 = tpu.memref_slice %arg6[%dma_wait3A_174, %dma_wait3A_175, %dma_wait3A_176] : memref<7x128x128xf32, #tpu.memory_space<vmem>> -> memref<1x128x128xf32, #tpu.memory_space<vmem>>
    %dma_wait3A_178 = tpu.memref_squeeze %dma_wait3A_177 : memref<1x128x128xf32, #tpu.memory_space<vmem>> -> memref<128x128xf32, #tpu.memory_space<vmem>>
    %dma_wait3A_179 = arith.constant 0 : i32
    %dma_wait3A_180 = tpu.memref_slice %arg4[%mul3A_2, %dma_wait3A_179] : memref<204800x128xf32, #tpu.memory_space<hbm>> -> memref<128x128xf32, #tpu.memory_space<hbm>>
    %dma_wait3A_181 = arith.constant 0 : i32
    %dma_wait3A_182 = tpu.memref_slice %arg4[%mul3A_2, %dma_wait3A_181] : memref<204800x128xf32, #tpu.memory_space<hbm>> -> memref<128x128xf32, #tpu.memory_space<hbm>>
    %dma_wait3A_183 = arith.constant 0 : i32
    %dma_wait3A_184 = arith.constant 0 : i32
    %dma_wait3A_185 = tpu.memref_slice %arg6[%dma_wait3A_174, %dma_wait3A_183, %dma_wait3A_184] : memref<7x128x128xf32, #tpu.memory_space<vmem>> -> memref<1x128x128xf32, #tpu.memory_space<vmem>>
    %dma_wait3A_186 = tpu.memref_squeeze %dma_wait3A_185 : memref<1x128x128xf32, #tpu.memory_space<vmem>> -> memref<128x128xf32, #tpu.memory_space<vmem>>
    tpu.wait_dma2 semaphore(%arg15 : memref<!tpu.dma_semaphore, #tpu.memory_space<semaphore_mem>>) src(%dma_wait3A_186 : memref<128x128xf32, #tpu.memory_space<vmem>>) dst(%dma_wait3A_182 : memref<128x128xf32, #tpu.memory_space<hbm>>)
    %dma_wait3A_187 = arith.constant 3 : i32
    %dma_wait3A_188 = arith.constant 0 : i32
    %dma_wait3A_189 = arith.constant 0 : i32
    %dma_wait3A_190 = tpu.memref_slice %arg6[%dma_wait3A_187, %dma_wait3A_188, %dma_wait3A_189] : memref<7x128x128xf32, #tpu.memory_space<vmem>> -> memref<1x128x128xf32, #tpu.memory_space<vmem>>
    %dma_wait3A_191 = tpu.memref_squeeze %dma_wait3A_190 : memref<1x128x128xf32, #tpu.memory_space<vmem>> -> memref<128x128xf32, #tpu.memory_space<vmem>>
    %dma_wait3A_192 = arith.constant 0 : i32
    %dma_wait3A_193 = tpu.memref_slice %arg5[%dma_wait3A_192] : memref<6400xi32, #tpu.memory_space<vmem>> -> memref<128xi32, #tpu.memory_space<vmem>>
    %dma_wait3A_194 = arith.constant 0 : i32
    %dma_wait3A_195 = arith.constant 0 : i32
    %dma_wait3A_196 = tpu.memref_slice %arg2[%dma_wait3A_194, %dma_wait3A_195] : memref<100000x128xf32, #tpu.memory_space<hbm>> -> memref<100000x128xf32, #tpu.memory_space<hbm>>
    tpu.wait_indirect_dma semaphore(%arg10 : memref<!tpu.dma_semaphore, #tpu.memory_space<semaphore_mem>>) src(%dma_wait3A_196 : memref<100000x128xf32, #tpu.memory_space<hbm>>) dst(%dma_wait3A_191 : memref<128x128xf32, #tpu.memory_space<vmem>>)
    %add3A_197 = arith.constant 5760 : i32
    %add3A_198 = arith.addi %mul3A_2, %add3A_197 : i32
    %dma_start3A_199 = arith.constant 3 : i32
    %dma_start3A_200 = arith.constant 0 : i32
    %dma_start3A_201 = arith.constant 0 : i32
    %dma_start3A_202 = tpu.memref_slice %arg6[%dma_start3A_199, %dma_start3A_200, %dma_start3A_201] : memref<7x128x128xf32, #tpu.memory_space<vmem>> -> memref<1x128x128xf32, #tpu.memory_space<vmem>>
    %dma_start3A_203 = tpu.memref_squeeze %dma_start3A_202 : memref<1x128x128xf32, #tpu.memory_space<vmem>> -> memref<128x128xf32, #tpu.memory_space<vmem>>
    %dma_start3A_204 = arith.constant 0 : i32
    %dma_start3A_205 = tpu.memref_slice %arg4[%add3A_198, %dma_start3A_204] : memref<204800x128xf32, #tpu.memory_space<hbm>> -> memref<128x128xf32, #tpu.memory_space<hbm>>
    %dma_start3A_206 = arith.constant 0 : i32
    %dma_start3A_207 = tpu.memref_slice %arg4[%add3A_198, %dma_start3A_206] : memref<204800x128xf32, #tpu.memory_space<hbm>> -> memref<128x128xf32, #tpu.memory_space<hbm>>
    %dma_start3A_208 = arith.constant 0 : i32
    %dma_start3A_209 = arith.constant 0 : i32
    %dma_start3A_210 = tpu.memref_slice %arg6[%dma_start3A_199, %dma_start3A_208, %dma_start3A_209] : memref<7x128x128xf32, #tpu.memory_space<vmem>> -> memref<1x128x128xf32, #tpu.memory_space<vmem>>
    %dma_start3A_211 = tpu.memref_squeeze %dma_start3A_210 : memref<1x128x128xf32, #tpu.memory_space<vmem>> -> memref<128x128xf32, #tpu.memory_space<vmem>>
    tpu.enqueue_dma source(%dma_start3A_211 : memref<128x128xf32, #tpu.memory_space<vmem>>) target(%dma_start3A_207 : memref<128x128xf32, #tpu.memory_space<hbm>>) target_semaphore(%arg17 : memref<!tpu.dma_semaphore, #tpu.memory_space<semaphore_mem>>)
    %dma_wait3A_212 = arith.constant 2 : i32
    %dma_wait3A_213 = arith.constant 0 : i32
    %dma_wait3A_214 = arith.constant 0 : i32
    %dma_wait3A_215 = tpu.memref_slice %arg6[%dma_wait3A_212, %dma_wait3A_213, %dma_wait3A_214] : memref<7x128x128xf32, #tpu.memory_space<vmem>> -> memref<1x128x128xf32, #tpu.memory_space<vmem>>
    %dma_wait3A_216 = tpu.memref_squeeze %dma_wait3A_215 : memref<1x128x128xf32, #tpu.memory_space<vmem>> -> memref<128x128xf32, #tpu.memory_space<vmem>>
    %dma_wait3A_217 = arith.constant 0 : i32
    %dma_wait3A_218 = tpu.memref_slice %arg4[%mul3A_2, %dma_wait3A_217] : memref<204800x128xf32, #tpu.memory_space<hbm>> -> memref<128x128xf32, #tpu.memory_space<hbm>>
    %dma_wait3A_219 = arith.constant 0 : i32
    %dma_wait3A_220 = tpu.memref_slice %arg4[%mul3A_2, %dma_wait3A_219] : memref<204800x128xf32, #tpu.memory_space<hbm>> -> memref<128x128xf32, #tpu.memory_space<hbm>>
    %dma_wait3A_221 = arith.constant 0 : i32
    %dma_wait3A_222 = arith.constant 0 : i32
    %dma_wait3A_223 = tpu.memref_slice %arg6[%dma_wait3A_212, %dma_wait3A_221, %dma_wait3A_222] : memref<7x128x128xf32, #tpu.memory_space<vmem>> -> memref<1x128x128xf32, #tpu.memory_space<vmem>>
    %dma_wait3A_224 = tpu.memref_squeeze %dma_wait3A_223 : memref<1x128x128xf32, #tpu.memory_space<vmem>> -> memref<128x128xf32, #tpu.memory_space<vmem>>
    tpu.wait_dma2 semaphore(%arg16 : memref<!tpu.dma_semaphore, #tpu.memory_space<semaphore_mem>>) src(%dma_wait3A_224 : memref<128x128xf32, #tpu.memory_space<vmem>>) dst(%dma_wait3A_220 : memref<128x128xf32, #tpu.memory_space<hbm>>)
    %dma_wait3A_225 = arith.constant 4 : i32
    %dma_wait3A_226 = arith.constant 0 : i32
    %dma_wait3A_227 = arith.constant 0 : i32
    %dma_wait3A_228 = tpu.memref_slice %arg6[%dma_wait3A_225, %dma_wait3A_226, %dma_wait3A_227] : memref<7x128x128xf32, #tpu.memory_space<vmem>> -> memref<1x128x128xf32, #tpu.memory_space<vmem>>
    %dma_wait3A_229 = tpu.memref_squeeze %dma_wait3A_228 : memref<1x128x128xf32, #tpu.memory_space<vmem>> -> memref<128x128xf32, #tpu.memory_space<vmem>>
    %dma_wait3A_230 = arith.constant 0 : i32
    %dma_wait3A_231 = tpu.memref_slice %arg5[%dma_wait3A_230] : memref<6400xi32, #tpu.memory_space<vmem>> -> memref<128xi32, #tpu.memory_space<vmem>>
    %dma_wait3A_232 = arith.constant 0 : i32
    %dma_wait3A_233 = arith.constant 0 : i32
    %dma_wait3A_234 = tpu.memref_slice %arg2[%dma_wait3A_232, %dma_wait3A_233] : memref<100000x128xf32, #tpu.memory_space<hbm>> -> memref<100000x128xf32, #tpu.memory_space<hbm>>
    tpu.wait_indirect_dma semaphore(%arg11 : memref<!tpu.dma_semaphore, #tpu.memory_space<semaphore_mem>>) src(%dma_wait3A_234 : memref<100000x128xf32, #tpu.memory_space<hbm>>) dst(%dma_wait3A_229 : memref<128x128xf32, #tpu.memory_space<vmem>>)
    %add3A_235 = arith.constant 5888 : i32
    %add3A_236 = arith.addi %mul3A_2, %add3A_235 : i32
    %dma_start3A_237 = arith.constant 4 : i32
    %dma_start3A_238 = arith.constant 0 : i32
    %dma_start3A_239 = arith.constant 0 : i32
    %dma_start3A_240 = tpu.memref_slice %arg6[%dma_start3A_237, %dma_start3A_238, %dma_start3A_239] : memref<7x128x128xf32, #tpu.memory_space<vmem>> -> memref<1x128x128xf32, #tpu.memory_space<vmem>>
    %dma_start3A_241 = tpu.memref_squeeze %dma_start3A_240 : memref<1x128x128xf32, #tpu.memory_space<vmem>> -> memref<128x128xf32, #tpu.memory_space<vmem>>
    %dma_start3A_242 = arith.constant 0 : i32
    %dma_start3A_243 = tpu.memref_slice %arg4[%add3A_236, %dma_start3A_242] : memref<204800x128xf32, #tpu.memory_space<hbm>> -> memref<128x128xf32, #tpu.memory_space<hbm>>
    %dma_start3A_244 = arith.constant 0 : i32
    %dma_start3A_245 = tpu.memref_slice %arg4[%add3A_236, %dma_start3A_244] : memref<204800x128xf32, #tpu.memory_space<hbm>> -> memref<128x128xf32, #tpu.memory_space<hbm>>
    %dma_start3A_246 = arith.constant 0 : i32
    %dma_start3A_247 = arith.constant 0 : i32
    %dma_start3A_248 = tpu.memref_slice %arg6[%dma_start3A_237, %dma_start3A_246, %dma_start3A_247] : memref<7x128x128xf32, #tpu.memory_space<vmem>> -> memref<1x128x128xf32, #tpu.memory_space<vmem>>
    %dma_start3A_249 = tpu.memref_squeeze %dma_start3A_248 : memref<1x128x128xf32, #tpu.memory_space<vmem>> -> memref<128x128xf32, #tpu.memory_space<vmem>>
    tpu.enqueue_dma source(%dma_start3A_249 : memref<128x128xf32, #tpu.memory_space<vmem>>) target(%dma_start3A_245 : memref<128x128xf32, #tpu.memory_space<hbm>>) target_semaphore(%arg18 : memref<!tpu.dma_semaphore, #tpu.memory_space<semaphore_mem>>)
    %dma_wait3A_250 = arith.constant 3 : i32
    %dma_wait3A_251 = arith.constant 0 : i32
    %dma_wait3A_252 = arith.constant 0 : i32
    %dma_wait3A_253 = tpu.memref_slice %arg6[%dma_wait3A_250, %dma_wait3A_251, %dma_wait3A_252] : memref<7x128x128xf32, #tpu.memory_space<vmem>> -> memref<1x128x128xf32, #tpu.memory_space<vmem>>
    %dma_wait3A_254 = tpu.memref_squeeze %dma_wait3A_253 : memref<1x128x128xf32, #tpu.memory_space<vmem>> -> memref<128x128xf32, #tpu.memory_space<vmem>>
    %dma_wait3A_255 = arith.constant 0 : i32
    %dma_wait3A_256 = tpu.memref_slice %arg4[%mul3A_2, %dma_wait3A_255] : memref<204800x128xf32, #tpu.memory_space<hbm>> -> memref<128x128xf32, #tpu.memory_space<hbm>>
    %dma_wait3A_257 = arith.constant 0 : i32
    %dma_wait3A_258 = tpu.memref_slice %arg4[%mul3A_2, %dma_wait3A_257] : memref<204800x128xf32, #tpu.memory_space<hbm>> -> memref<128x128xf32, #tpu.memory_space<hbm>>
    %dma_wait3A_259 = arith.constant 0 : i32
    %dma_wait3A_260 = arith.constant 0 : i32
    %dma_wait3A_261 = tpu.memref_slice %arg6[%dma_wait3A_250, %dma_wait3A_259, %dma_wait3A_260] : memref<7x128x128xf32, #tpu.memory_space<vmem>> -> memref<1x128x128xf32, #tpu.memory_space<vmem>>
    %dma_wait3A_262 = tpu.memref_squeeze %dma_wait3A_261 : memref<1x128x128xf32, #tpu.memory_space<vmem>> -> memref<128x128xf32, #tpu.memory_space<vmem>>
    tpu.wait_dma2 semaphore(%arg17 : memref<!tpu.dma_semaphore, #tpu.memory_space<semaphore_mem>>) src(%dma_wait3A_262 : memref<128x128xf32, #tpu.memory_space<vmem>>) dst(%dma_wait3A_258 : memref<128x128xf32, #tpu.memory_space<hbm>>)
    %dma_wait3A_263 = arith.constant 5 : i32
    %dma_wait3A_264 = arith.constant 0 : i32
    %dma_wait3A_265 = arith.constant 0 : i32
    %dma_wait3A_266 = tpu.memref_slice %arg6[%dma_wait3A_263, %dma_wait3A_264, %dma_wait3A_265] : memref<7x128x128xf32, #tpu.memory_space<vmem>> -> memref<1x128x128xf32, #tpu.memory_space<vmem>>
    %dma_wait3A_267 = tpu.memref_squeeze %dma_wait3A_266 : memref<1x128x128xf32, #tpu.memory_space<vmem>> -> memref<128x128xf32, #tpu.memory_space<vmem>>
    %dma_wait3A_268 = arith.constant 0 : i32
    %dma_wait3A_269 = tpu.memref_slice %arg5[%dma_wait3A_268] : memref<6400xi32, #tpu.memory_space<vmem>> -> memref<128xi32, #tpu.memory_space<vmem>>
    %dma_wait3A_270 = arith.constant 0 : i32
    %dma_wait3A_271 = arith.constant 0 : i32
    %dma_wait3A_272 = tpu.memref_slice %arg2[%dma_wait3A_270, %dma_wait3A_271] : memref<100000x128xf32, #tpu.memory_space<hbm>> -> memref<100000x128xf32, #tpu.memory_space<hbm>>
    tpu.wait_indirect_dma semaphore(%arg12 : memref<!tpu.dma_semaphore, #tpu.memory_space<semaphore_mem>>) src(%dma_wait3A_272 : memref<100000x128xf32, #tpu.memory_space<hbm>>) dst(%dma_wait3A_267 : memref<128x128xf32, #tpu.memory_space<vmem>>)
    %add3A_273 = arith.constant 6016 : i32
    %add3A_274 = arith.addi %mul3A_2, %add3A_273 : i32
    %dma_start3A_275 = arith.constant 5 : i32
    %dma_start3A_276 = arith.constant 0 : i32
    %dma_start3A_277 = arith.constant 0 : i32
    %dma_start3A_278 = tpu.memref_slice %arg6[%dma_start3A_275, %dma_start3A_276, %dma_start3A_277] : memref<7x128x128xf32, #tpu.memory_space<vmem>> -> memref<1x128x128xf32, #tpu.memory_space<vmem>>
    %dma_start3A_279 = tpu.memref_squeeze %dma_start3A_278 : memref<1x128x128xf32, #tpu.memory_space<vmem>> -> memref<128x128xf32, #tpu.memory_space<vmem>>
    %dma_start3A_280 = arith.constant 0 : i32
    %dma_start3A_281 = tpu.memref_slice %arg4[%add3A_274, %dma_start3A_280] : memref<204800x128xf32, #tpu.memory_space<hbm>> -> memref<128x128xf32, #tpu.memory_space<hbm>>
    %dma_start3A_282 = arith.constant 0 : i32
    %dma_start3A_283 = tpu.memref_slice %arg4[%add3A_274, %dma_start3A_282] : memref<204800x128xf32, #tpu.memory_space<hbm>> -> memref<128x128xf32, #tpu.memory_space<hbm>>
    %dma_start3A_284 = arith.constant 0 : i32
    %dma_start3A_285 = arith.constant 0 : i32
    %dma_start3A_286 = tpu.memref_slice %arg6[%dma_start3A_275, %dma_start3A_284, %dma_start3A_285] : memref<7x128x128xf32, #tpu.memory_space<vmem>> -> memref<1x128x128xf32, #tpu.memory_space<vmem>>
    %dma_start3A_287 = tpu.memref_squeeze %dma_start3A_286 : memref<1x128x128xf32, #tpu.memory_space<vmem>> -> memref<128x128xf32, #tpu.memory_space<vmem>>
    tpu.enqueue_dma source(%dma_start3A_287 : memref<128x128xf32, #tpu.memory_space<vmem>>) target(%dma_start3A_283 : memref<128x128xf32, #tpu.memory_space<hbm>>) target_semaphore(%arg19 : memref<!tpu.dma_semaphore, #tpu.memory_space<semaphore_mem>>)
    %dma_wait3A_288 = arith.constant 4 : i32
    %dma_wait3A_289 = arith.constant 0 : i32
    %dma_wait3A_290 = arith.constant 0 : i32
    %dma_wait3A_291 = tpu.memref_slice %arg6[%dma_wait3A_288, %dma_wait3A_289, %dma_wait3A_290] : memref<7x128x128xf32, #tpu.memory_space<vmem>> -> memref<1x128x128xf32, #tpu.memory_space<vmem>>
    %dma_wait3A_292 = tpu.memref_squeeze %dma_wait3A_291 : memref<1x128x128xf32, #tpu.memory_space<vmem>> -> memref<128x128xf32, #tpu.memory_space<vmem>>
    %dma_wait3A_293 = arith.constant 0 : i32
    %dma_wait3A_294 = tpu.memref_slice %arg4[%mul3A_2, %dma_wait3A_293] : memref<204800x128xf32, #tpu.memory_space<hbm>> -> memref<128x128xf32, #tpu.memory_space<hbm>>
    %dma_wait3A_295 = arith.constant 0 : i32
    %dma_wait3A_296 = tpu.memref_slice %arg4[%mul3A_2, %dma_wait3A_295] : memref<204800x128xf32, #tpu.memory_space<hbm>> -> memref<128x128xf32, #tpu.memory_space<hbm>>
    %dma_wait3A_297 = arith.constant 0 : i32
    %dma_wait3A_298 = arith.constant 0 : i32
    %dma_wait3A_299 = tpu.memref_slice %arg6[%dma_wait3A_288, %dma_wait3A_297, %dma_wait3A_298] : memref<7x128x128xf32, #tpu.memory_space<vmem>> -> memref<1x128x128xf32, #tpu.memory_space<vmem>>
    %dma_wait3A_300 = tpu.memref_squeeze %dma_wait3A_299 : memref<1x128x128xf32, #tpu.memory_space<vmem>> -> memref<128x128xf32, #tpu.memory_space<vmem>>
    tpu.wait_dma2 semaphore(%arg18 : memref<!tpu.dma_semaphore, #tpu.memory_space<semaphore_mem>>) src(%dma_wait3A_300 : memref<128x128xf32, #tpu.memory_space<vmem>>) dst(%dma_wait3A_296 : memref<128x128xf32, #tpu.memory_space<hbm>>)
    %dma_wait3A_301 = arith.constant 6 : i32
    %dma_wait3A_302 = arith.constant 0 : i32
    %dma_wait3A_303 = arith.constant 0 : i32
    %dma_wait3A_304 = tpu.memref_slice %arg6[%dma_wait3A_301, %dma_wait3A_302, %dma_wait3A_303] : memref<7x128x128xf32, #tpu.memory_space<vmem>> -> memref<1x128x128xf32, #tpu.memory_space<vmem>>
    %dma_wait3A_305 = tpu.memref_squeeze %dma_wait3A_304 : memref<1x128x128xf32, #tpu.memory_space<vmem>> -> memref<128x128xf32, #tpu.memory_space<vmem>>
    %dma_wait3A_306 = arith.constant 0 : i32
    %dma_wait3A_307 = tpu.memref_slice %arg5[%dma_wait3A_306] : memref<6400xi32, #tpu.memory_space<vmem>> -> memref<128xi32, #tpu.memory_space<vmem>>
    %dma_wait3A_308 = arith.constant 0 : i32
    %dma_wait3A_309 = arith.constant 0 : i32
    %dma_wait3A_310 = tpu.memref_slice %arg2[%dma_wait3A_308, %dma_wait3A_309] : memref<100000x128xf32, #tpu.memory_space<hbm>> -> memref<100000x128xf32, #tpu.memory_space<hbm>>
    tpu.wait_indirect_dma semaphore(%arg13 : memref<!tpu.dma_semaphore, #tpu.memory_space<semaphore_mem>>) src(%dma_wait3A_310 : memref<100000x128xf32, #tpu.memory_space<hbm>>) dst(%dma_wait3A_305 : memref<128x128xf32, #tpu.memory_space<vmem>>)
    %add3A_311 = arith.constant 6144 : i32
    %add3A_312 = arith.addi %mul3A_2, %add3A_311 : i32
    %dma_start3A_313 = arith.constant 6 : i32
    %dma_start3A_314 = arith.constant 0 : i32
    %dma_start3A_315 = arith.constant 0 : i32
    %dma_start3A_316 = tpu.memref_slice %arg6[%dma_start3A_313, %dma_start3A_314, %dma_start3A_315] : memref<7x128x128xf32, #tpu.memory_space<vmem>> -> memref<1x128x128xf32, #tpu.memory_space<vmem>>
    %dma_start3A_317 = tpu.memref_squeeze %dma_start3A_316 : memref<1x128x128xf32, #tpu.memory_space<vmem>> -> memref<128x128xf32, #tpu.memory_space<vmem>>
    %dma_start3A_318 = arith.constant 0 : i32
    %dma_start3A_319 = tpu.memref_slice %arg4[%add3A_312, %dma_start3A_318] : memref<204800x128xf32, #tpu.memory_space<hbm>> -> memref<128x128xf32, #tpu.memory_space<hbm>>
    %dma_start3A_320 = arith.constant 0 : i32
    %dma_start3A_321 = tpu.memref_slice %arg4[%add3A_312, %dma_start3A_320] : memref<204800x128xf32, #tpu.memory_space<hbm>> -> memref<128x128xf32, #tpu.memory_space<hbm>>
    %dma_start3A_322 = arith.constant 0 : i32
    %dma_start3A_323 = arith.constant 0 : i32
    %dma_start3A_324 = tpu.memref_slice %arg6[%dma_start3A_313, %dma_start3A_322, %dma_start3A_323] : memref<7x128x128xf32, #tpu.memory_space<vmem>> -> memref<1x128x128xf32, #tpu.memory_space<vmem>>
    %dma_start3A_325 = tpu.memref_squeeze %dma_start3A_324 : memref<1x128x128xf32, #tpu.memory_space<vmem>> -> memref<128x128xf32, #tpu.memory_space<vmem>>
    tpu.enqueue_dma source(%dma_start3A_325 : memref<128x128xf32, #tpu.memory_space<vmem>>) target(%dma_start3A_321 : memref<128x128xf32, #tpu.memory_space<hbm>>) target_semaphore(%arg20 : memref<!tpu.dma_semaphore, #tpu.memory_space<semaphore_mem>>)
    %dma_wait3A_326 = arith.constant 5 : i32
    %dma_wait3A_327 = arith.constant 0 : i32
    %dma_wait3A_328 = arith.constant 0 : i32
    %dma_wait3A_329 = tpu.memref_slice %arg6[%dma_wait3A_326, %dma_wait3A_327, %dma_wait3A_328] : memref<7x128x128xf32, #tpu.memory_space<vmem>> -> memref<1x128x128xf32, #tpu.memory_space<vmem>>
    %dma_wait3A_330 = tpu.memref_squeeze %dma_wait3A_329 : memref<1x128x128xf32, #tpu.memory_space<vmem>> -> memref<128x128xf32, #tpu.memory_space<vmem>>
    %dma_wait3A_331 = arith.constant 0 : i32
    %dma_wait3A_332 = tpu.memref_slice %arg4[%mul3A_2, %dma_wait3A_331] : memref<204800x128xf32, #tpu.memory_space<hbm>> -> memref<128x128xf32, #tpu.memory_space<hbm>>
    %dma_wait3A_333 = arith.constant 0 : i32
    %dma_wait3A_334 = tpu.memref_slice %arg4[%mul3A_2, %dma_wait3A_333] : memref<204800x128xf32, #tpu.memory_space<hbm>> -> memref<128x128xf32, #tpu.memory_space<hbm>>
    %dma_wait3A_335 = arith.constant 0 : i32
    %dma_wait3A_336 = arith.constant 0 : i32
    %dma_wait3A_337 = tpu.memref_slice %arg6[%dma_wait3A_326, %dma_wait3A_335, %dma_wait3A_336] : memref<7x128x128xf32, #tpu.memory_space<vmem>> -> memref<1x128x128xf32, #tpu.memory_space<vmem>>
    %dma_wait3A_338 = tpu.memref_squeeze %dma_wait3A_337 : memref<1x128x128xf32, #tpu.memory_space<vmem>> -> memref<128x128xf32, #tpu.memory_space<vmem>>
    tpu.wait_dma2 semaphore(%arg19 : memref<!tpu.dma_semaphore, #tpu.memory_space<semaphore_mem>>) src(%dma_wait3A_338 : memref<128x128xf32, #tpu.memory_space<vmem>>) dst(%dma_wait3A_334 : memref<128x128xf32, #tpu.memory_space<hbm>>)
    %dma_wait3A_339 = arith.constant 0 : i32
    %dma_wait3A_340 = arith.constant 0 : i32
    %dma_wait3A_341 = arith.constant 0 : i32
    %dma_wait3A_342 = tpu.memref_slice %arg6[%dma_wait3A_339, %dma_wait3A_340, %dma_wait3A_341] : memref<7x128x128xf32, #tpu.memory_space<vmem>> -> memref<1x128x128xf32, #tpu.memory_space<vmem>>
    %dma_wait3A_343 = tpu.memref_squeeze %dma_wait3A_342 : memref<1x128x128xf32, #tpu.memory_space<vmem>> -> memref<128x128xf32, #tpu.memory_space<vmem>>
    %dma_wait3A_344 = arith.constant 0 : i32
    %dma_wait3A_345 = tpu.memref_slice %arg5[%dma_wait3A_344] : memref<6400xi32, #tpu.memory_space<vmem>> -> memref<128xi32, #tpu.memory_space<vmem>>
    %dma_wait3A_346 = arith.constant 0 : i32
    %dma_wait3A_347 = arith.constant 0 : i32
    %dma_wait3A_348 = tpu.memref_slice %arg2[%dma_wait3A_346, %dma_wait3A_347] : memref<100000x128xf32, #tpu.memory_space<hbm>> -> memref<100000x128xf32, #tpu.memory_space<hbm>>
    tpu.wait_indirect_dma semaphore(%arg7 : memref<!tpu.dma_semaphore, #tpu.memory_space<semaphore_mem>>) src(%dma_wait3A_348 : memref<100000x128xf32, #tpu.memory_space<hbm>>) dst(%dma_wait3A_343 : memref<128x128xf32, #tpu.memory_space<vmem>>)
    %add3A_349 = arith.constant 6272 : i32
    %add3A_350 = arith.addi %mul3A_2, %add3A_349 : i32
    %dma_start3A_351 = arith.constant 0 : i32
    %dma_start3A_352 = arith.constant 0 : i32
    %dma_start3A_353 = arith.constant 0 : i32
    %dma_start3A_354 = tpu.memref_slice %arg6[%dma_start3A_351, %dma_start3A_352, %dma_start3A_353] : memref<7x128x128xf32, #tpu.memory_space<vmem>> -> memref<1x128x128xf32, #tpu.memory_space<vmem>>
    %dma_start3A_355 = tpu.memref_squeeze %dma_start3A_354 : memref<1x128x128xf32, #tpu.memory_space<vmem>> -> memref<128x128xf32, #tpu.memory_space<vmem>>
    %dma_start3A_356 = arith.constant 0 : i32
    %dma_start3A_357 = tpu.memref_slice %arg4[%add3A_350, %dma_start3A_356] : memref<204800x128xf32, #tpu.memory_space<hbm>> -> memref<128x128xf32, #tpu.memory_space<hbm>>
    %dma_start3A_358 = arith.constant 0 : i32
    %dma_start3A_359 = tpu.memref_slice %arg4[%add3A_350, %dma_start3A_358] : memref<204800x128xf32, #tpu.memory_space<hbm>> -> memref<128x128xf32, #tpu.memory_space<hbm>>
    %dma_start3A_360 = arith.constant 0 : i32
    %dma_start3A_361 = arith.constant 0 : i32
    %dma_start3A_362 = tpu.memref_slice %arg6[%dma_start3A_351, %dma_start3A_360, %dma_start3A_361] : memref<7x128x128xf32, #tpu.memory_space<vmem>> -> memref<1x128x128xf32, #tpu.memory_space<vmem>>
    %dma_start3A_363 = tpu.memref_squeeze %dma_start3A_362 : memref<1x128x128xf32, #tpu.memory_space<vmem>> -> memref<128x128xf32, #tpu.memory_space<vmem>>
    tpu.enqueue_dma source(%dma_start3A_363 : memref<128x128xf32, #tpu.memory_space<vmem>>) target(%dma_start3A_359 : memref<128x128xf32, #tpu.memory_space<hbm>>) target_semaphore(%arg14 : memref<!tpu.dma_semaphore, #tpu.memory_space<semaphore_mem>>)
    %dma_wait3A_364 = arith.constant 6 : i32
    %dma_wait3A_365 = arith.constant 0 : i32
    %dma_wait3A_366 = arith.constant 0 : i32
    %dma_wait3A_367 = tpu.memref_slice %arg6[%dma_wait3A_364, %dma_wait3A_365, %dma_wait3A_366] : memref<7x128x128xf32, #tpu.memory_space<vmem>> -> memref<1x128x128xf32, #tpu.memory_space<vmem>>
    %dma_wait3A_368 = tpu.memref_squeeze %dma_wait3A_367 : memref<1x128x128xf32, #tpu.memory_space<vmem>> -> memref<128x128xf32, #tpu.memory_space<vmem>>
    %dma_wait3A_369 = arith.constant 0 : i32
    %dma_wait3A_370 = tpu.memref_slice %arg4[%mul3A_2, %dma_wait3A_369] : memref<204800x128xf32, #tpu.memory_space<hbm>> -> memref<128x128xf32, #tpu.memory_space<hbm>>
    %dma_wait3A_371 = arith.constant 0 : i32
    %dma_wait3A_372 = tpu.memref_slice %arg4[%mul3A_2, %dma_wait3A_371] : memref<204800x128xf32, #tpu.memory_space<hbm>> -> memref<128x128xf32, #tpu.memory_space<hbm>>
    %dma_wait3A_373 = arith.constant 0 : i32
    %dma_wait3A_374 = arith.constant 0 : i32
    %dma_wait3A_375 = tpu.memref_slice %arg6[%dma_wait3A_364, %dma_wait3A_373, %dma_wait3A_374] : memref<7x128x128xf32, #tpu.memory_space<vmem>> -> memref<1x128x128xf32, #tpu.memory_space<vmem>>
    %dma_wait3A_376 = tpu.memref_squeeze %dma_wait3A_375 : memref<1x128x128xf32, #tpu.memory_space<vmem>> -> memref<128x128xf32, #tpu.memory_space<vmem>>
    tpu.wait_dma2 semaphore(%arg20 : memref<!tpu.dma_semaphore, #tpu.memory_space<semaphore_mem>>) src(%dma_wait3A_376 : memref<128x128xf32, #tpu.memory_space<vmem>>) dst(%dma_wait3A_372 : memref<128x128xf32, #tpu.memory_space<hbm>>)
    %dma_wait3A_377 = arith.constant 0 : i32
    %dma_wait3A_378 = arith.constant 0 : i32
    %dma_wait3A_379 = arith.constant 0 : i32
    %dma_wait3A_380 = tpu.memref_slice %arg6[%dma_wait3A_377, %dma_wait3A_378, %dma_wait3A_379] : memref<7x128x128xf32, #tpu.memory_space<vmem>> -> memref<1x128x128xf32, #tpu.memory_space<vmem>>
    %dma_wait3A_381 = tpu.memref_squeeze %dma_wait3A_380 : memref<1x128x128xf32, #tpu.memory_space<vmem>> -> memref<128x128xf32, #tpu.memory_space<vmem>>
    %dma_wait3A_382 = arith.constant 0 : i32
    %dma_wait3A_383 = tpu.memref_slice %arg4[%mul3A_2, %dma_wait3A_382] : memref<204800x128xf32, #tpu.memory_space<hbm>> -> memref<128x128xf32, #tpu.memory_space<hbm>>
    %dma_wait3A_384 = arith.constant 0 : i32
    %dma_wait3A_385 = tpu.memref_slice %arg4[%mul3A_2, %dma_wait3A_384] : memref<204800x128xf32, #tpu.memory_space<hbm>> -> memref<128x128xf32, #tpu.memory_space<hbm>>
    %dma_wait3A_386 = arith.constant 0 : i32
    %dma_wait3A_387 = arith.constant 0 : i32
    %dma_wait3A_388 = tpu.memref_slice %arg6[%dma_wait3A_377, %dma_wait3A_386, %dma_wait3A_387] : memref<7x128x128xf32, #tpu.memory_space<vmem>> -> memref<1x128x128xf32, #tpu.memory_space<vmem>>
    %dma_wait3A_389 = tpu.memref_squeeze %dma_wait3A_388 : memref<1x128x128xf32, #tpu.memory_space<vmem>> -> memref<128x128xf32, #tpu.memory_space<vmem>>
    tpu.wait_dma2 semaphore(%arg14 : memref<!tpu.dma_semaphore, #tpu.memory_space<semaphore_mem>>) src(%dma_wait3A_389 : memref<128x128xf32, #tpu.memory_space<vmem>>) dst(%dma_wait3A_385 : memref<128x128xf32, #tpu.memory_space<hbm>>)
    return
  }
}

</mosaic_0001>

<sc_bundles>
// kernel: _emb_lookup.3.cloned.1.call-start
scs
__scs_entry_jumppad:
0x0: {  	(pc) =	sbr.rel $0x88, $3  }
0x1: {  	(tag) =	ssettag $0x0;
	lr =	simm.s32 $0x1  }
0x2: {  	[smem:$0x3F9F] =	sst lr;
	_ =	strace $0xD0000000  }
0x3: {  	_ = 	snop  }
0x4: {  	_ = 	snop  }
0x5: {  	_ = 	snop  }
0x6: {  	_ = 	snop  }
0x7: {  	_ = 	snop  }
__scs_overlays_trampoline_lowered:
0x8: {  	[smem:$0x3FAE] =	sst s0  }
0x9: {  	[smem:$0x3FAF] =	sst s1  }
0xa: {  	[smem:$0x3FB0] =	sst s2  }
0xb: {  	[smem:$0x3FB1] =	sst s3  }
0xc: {  	[smem:$0x3FB2] =	sst s4  }
0xd: {  	[smem:$0x3FB3] =	sst s5  }
0xe: {  	[smem:$0x3FB4] =	sst s6  }
0xf: {  	[smem:$0x3FB5] =	sst s7  }
0x10: {  	[smem:$0x3FB6] =	sst s8  }
0x11: {  	[smem:$0x3FB7] =	sst s9;
	s0 =	simm.s32 @!p0 $0x0  }
0x12: {  	s1 =	sld [smem:$0x3F9D];
	s0 =	simm.s32 @p0 $0x1  }
0x13: {  	[smem:$0x3FB8] =	sst s0;
	s0 =	simm.s32 @!p1 $0x0  }
0x14: {  	s2 =	sld [smem:$0x3F9C];
	s0 =	simm.s32 @p1 $0x1  }
0x15: {  	[smem:$0x3FB9] =	sst s0;
	s0 =	simm.s32 @!p2 $0x0  }
0x16: {  	s3 =	sld [smem:$0x3FDB];
	s0 =	simm.s32 @p2 $0x1  }
0x17: {  	s4 =	simm.s32 $0x1BF5;
	[smem:$0x3FBB] =	sst s0  }
0x18: {  	s0 =	sld [smem:$0x3F9E];
	_ =	swait.ge [sflag:s4], $0x0  }
0x19: {  	s7 =	sld [smem:$0x3F9F]  }
0x1a: {  	s8 =	sadd.s32 $0xFFFFE003, lr  }
0x1b: {  	s9 =	sadd.s32 $0xFFFFFEF7, lr;
	s5 =	simm.s32 $0xFFFFFFFF;
	p2 =	slt.u32 s8, $0xFFFFF086  }
0x1c: {  	p1 =	slt.u32 s9, $0xF7A;
	s5 =	simm.s32 @!p2 $0x0  }
0x1d: {  	s5 =	simm.s32 @p1 $0x1;
	p0 =	seq.s32 s7, s2  }
0x1e: {  	s7 =	smul.u32 @!p0 $0xF7A, s2;
	p2 =	seq.s32 @!p0 s5, $0x0  }
0x1f: {  	s9 =	smul.u32 $0xF7A, s1;
	s8 =	simm.s32 @!p0 $0x1BF5;
	p2 =	por !p2, p0  }
0x20: {  	[sflag:s8] =	ssyncset.s32 @!p0 $0xFFFFF086;
	s6 =	sadd.s32 @!p0 s3, s7;
	s7 =	simm.s32 @!p0 $0x108  }
0x21: {  	s3 =	sadd.s32 s3, s9;
	s6 =	sadd.s32 @!p0 $0x88, s6;
	s7 =	simm.s32 @p2 $0x1082  }
0x22: {  	[simem:s7], [sflag:s8] =	dma.local @!p0 [hbm:s6], $0xF7A  }
0x23: {  	s9 =	sor.u32 $0xD0000000, s2;
	s6 =	simm.s32 $0x108;
	_ =	swait.ge @!p0 [sflag:s8], $0x0  }
0x24: {  	s3 =	sadd.s32 $0x88, s3;
	s6 =	simm.s32 @!p1 $0x1082;
	[sflag:s4] =	ssyncset.s32 $0xFFFFF086  }
0x25: {  	[simem:s6], [sflag:s4] =	dma.local [hbm:s3], $0xF7A  }
0x26: {  	[smem:$0x3F9F] =	sst s1;
	(tag) =	ssettag s2;
	_ =	strace s9  }
0x27: {  	s1 =	sld [smem:$0x3FAF]  }
0x28: {  	s2 =	sld [smem:$0x3FB0]  }
0x29: {  	s4 =	sld [smem:$0x3FB2]  }
0x2a: {  	p0 =	seq.s32 s5, $0x0;
	s5 =	sld [smem:$0x3FB3]  }
0x2b: {  	s6 =	sld [smem:$0x3FB4]  }
0x2c: {  	s7 =	sld [smem:$0x3FB5]  }
0x2d: {  	s3 =	simm.s32 $0x108;
	s8 =	sld [smem:$0x3FB6]  }
0x2e: {  	s3 =	simm.s32 @!p0 $0x1082;
	s9 =	sld [smem:$0x3FB7]  }
0x2f: {  	lr =	sadd.s32 s0, s3;
	s0 =	sld [smem:$0x3FAE]  }
0x30: {  	s3 =	sld [smem:$0x3FB1]  }
0x31: {  	[smem:$0x3FBA] =	sst s10  }
0x32: {  	s10 =	sld [smem:$0x3FB8];
	_ =	sdelay $0x3  }
0x33: {  	p0 =	seq.s32 s10, $0x1;
	s10 =	sld [smem:$0x3FBA];
	_ =	sdelay $0x3  }
0x34: {  	[smem:$0x3FBA] =	sst s10  }
0x35: {  	s10 =	sld [smem:$0x3FB9];
	_ =	sdelay $0x3  }
0x36: {  	p1 =	seq.s32 s10, $0x1;
	s10 =	sld [smem:$0x3FBA];
	_ =	sdelay $0x3  }
0x37: {  	[smem:$0x3FBA] =	sst s10  }
0x38: {  	s10 =	sld [smem:$0x3FBB]  }
0x39: {  	_ = 	snop;
	(pc) =	sbr.ind lr, $3  }
0x3a: {  	_ = 	snop  }
0x3b: {  	_ = 	snop  }
0x3c: {  	p2 =	seq.s32 s10, $0x1;
	s10 =	sld [smem:$0x3FBA]  }
0x3d: {  	_ =	shalt  }
0x3e: {  	_ =	shalt  }
0x3f: {  	_ =	shalt  }
0x40: {  	_ =	shalt  }
0x41: {  	_ =	shalt  }
0x42: {  	_ =	shalt  }
0x43: {  	_ =	shalt  }
0x44: {  	_ =	shalt  }
0x45: {  	_ =	shalt  }
0x46: {  	_ =	shalt  }
0x47: {  	_ =	shalt  }
0x48: {  	_ =	shalt  }
0x49: {  	_ =	shalt  }
0x4a: {  	_ =	shalt  }
0x4b: {  	_ =	shalt  }
0x4c: {  	_ =	shalt  }
0x4d: {  	_ =	shalt  }
0x4e: {  	_ =	shalt  }
0x4f: {  	_ =	shalt  }
0x50: {  	_ =	shalt  }
0x51: {  	_ =	shalt  }
0x52: {  	_ =	shalt  }
0x53: {  	_ =	shalt  }
0x54: {  	_ =	shalt  }
0x55: {  	_ =	shalt  }
0x56: {  	_ =	shalt  }
0x57: {  	_ =	shalt  }
0x58: {  	_ =	shalt  }
0x59: {  	_ =	shalt  }
0x5a: {  	_ =	shalt  }
0x5b: {  	_ =	shalt  }
0x5c: {  	_ =	shalt  }
0x5d: {  	_ =	shalt  }
0x5e: {  	_ =	shalt  }
0x5f: {  	_ =	shalt  }
0x60: {  	_ =	shalt  }
0x61: {  	_ =	shalt  }
0x62: {  	_ =	shalt  }
0x63: {  	_ =	shalt  }
0x64: {  	_ =	shalt  }
0x65: {  	_ =	shalt  }
0x66: {  	_ =	shalt  }
0x67: {  	_ =	shalt  }
0x68: {  	_ =	shalt  }
0x69: {  	_ =	shalt  }
0x6a: {  	_ =	shalt  }
0x6b: {  	_ =	shalt  }
0x6c: {  	_ =	shalt  }
0x6d: {  	_ =	shalt  }
0x6e: {  	_ =	shalt  }
0x6f: {  	_ =	shalt  }
0x70: {  	_ =	shalt  }
0x71: {  	_ =	shalt  }
0x72: {  	_ =	shalt  }
0x73: {  	_ =	shalt  }
0x74: {  	_ =	shalt  }
0x75: {  	_ =	shalt  }
0x76: {  	_ =	shalt  }
0x77: {  	_ =	shalt  }
0x78: {  	_ =	shalt  }
0x79: {  	_ =	shalt  }
0x7a: {  	_ =	shalt  }
0x7b: {  	_ =	shalt  }
0x7c: {  	_ =	shalt  }
0x7d: {  	_ =	shalt  }
0x7e: {  	_ =	shalt  }
0x7f: {  	_ =	shalt  }
0x80: {  	_ =	shalt  }
0x81: {  	_ =	shalt  }
0x82: {  	_ =	shalt  }
0x83: {  	_ =	shalt  }
0x84: {  	_ =	shalt  }
0x85: {  	_ =	shalt  }
0x86: {  	_ =	shalt  }
0x87: {  	_ =	shalt  }
.Lfunc_end0:
.L_simem_size_0:
called_computation_lowered:
.L_overlay_start_0:
0x88: {  	s2 =	sld [smem:$0x3FD9]  }
0x89: {  	s3 =	sld [smem:$0x3FFE];
	_ =	sdelay $0x1  }
0x8a: {  	s1 =	srdreg.scid  }
0x8b: {  	s0 =	sand.u32 $0x1, s1  }
0x8c: {  	s18 =	sshll.u32 s0, $0xA;
	s2 =	sadd.s32 s3, s2  }
0x8d: {  	s2 =	sadd.s32 s2, s18  }
0x8e: {  	[smem:$0x3FC6] =	sst s2  }
0x8f: {  	_ = 	snop  }
0x90: {  	s2 =	sld [smem:$0x3FC9]  }
0x91: {  	s19 =	sld [smem:$0x3FC8]  }
0x92: {  	s4 =	sld [smem:$0x3FD0];
	(tm) =	ssettm $0x1  }
0x93: {  	s5 =	sld [smem:$0x3FFB];
	_ =	sdelay $0x3  }
0x94: {  	_ =	strace s5  }
0x95: {  	s5 =	sld [smem:$0x3FFC];
	_ =	sdelay $0x3  }
0x96: {  	_ =	strace s5  }
0x97: {  	s5 =	sld [smem:$0x3FFD];
	_ =	sdelay $0x3  }
0x98: {  	_ =	strace s5  }
0x99: {  	_ =	strace $0x8FFFFFFF  }
0x9a: {  	s20 =	sld [smem:$0x3FDB];
	_ =	sdelay $0x1  }
0x9b: {  	s6 =	simm.s32 $_scs_section_size  }
0x9c: {  	s7 =	simm.s32 $_size__tile_overlayer_lowered;
	s8 =	simm.s32 $_tile_overlayer_lowered  }
0x9d: {  	s23 =	simm.s32 $0x1BFF;
	s22 =	sshll.u32 s8, $0x1;
	s5 =	sadd.s32 s6, s20  }
0x9e: {  	s9 =	simm.s32 $0x0;
	s21 =	sshll.u32 s7, $0x1;
	s7 =	sadd.s32 s22, s5  }
0x9f: {  	[timem:s9], [sflag:s23] =	dma.local [hbm:s7], s21  }
0xa0: {  	_ =	swait.ge [sflag:s23], s21  }
0xa1: {  	s6 =	ssub.s32 $0x0, s21;
	[sflag:s23] =	ssyncset.done $0x0  }
0xa2: {  	[sflag:s23] =	ssyncadd.s32 s6;
	_ =	sdelay $0x1  }
0xa3: {  	s24 =	simm.s32 $0x1B8B  }
0xa4: {  	_ =	swait.ge [sflag:s24], $0x1  }
0xa5: {  	[sflag:s24] =	ssyncset.done $0x0  }
0xa6: {  	s25 =	simm.s32 $0x1B8E;
	[sflag:s24] =	ssyncadd.s32 $0xFFFFFFFF  }
0xa7: {  	s26 =	simm.s32 $execute0_lowered;
	[smem:$0x3FD2] =	sst s25  }
0xa8: {  	s6 =	sshll.u32 s26, $0x1;
	_ =	strace $0x80000046;
	[dreg:$0x1] =	wrdreg $0xFFFFFFFF  }
0xa9: {  	s28 =	simm.s32 $_size_execute0_lowered;
	s5 =	sadd.s32 s5, s6;
	[dreg:$0x0] =	wrdreg $0x0  }
0xaa: {  	s6 =	sshll.u32 s28, $0x1;
	[dreg:$0x2] =	wrdreg s5  }
0xab: {  	[dreg:$0x3] =	wrdreg s6  }
0xac: {  	[dreg:$0x4] =	wrdreg $0xC0  }
0xad: {  	_ =	task [dreg:s9], $0x5FFFF  }
0xae: {  	[dreg:$0x1] =	wrdreg $0xFFFFFFFF  }
0xaf: {  	[dreg:$0x0] =	wrdreg $0x60  }
0xb0: {  	[dreg:$0x2] =	wrdreg s2  }
0xb1: {  	[dreg:$0x3] =	wrdreg s19  }
0xb2: {  	[dreg:$0x4] =	wrdreg s4  }
0xb3: {  	[dreg:$0x5] =	wrdreg $0x9  }
0xb4: {  	_ =	task.clear_ibuf [dreg:s9], $0x6FFFF;
	_ =	strace $0x90000046  }
0xb5: {  	s29 =	simm.s32 $0x9;
	_ =	strace $0x80000048  }
0xb6: {  	_ =	swait.ge [sflag:s29], $0x1  }
0xb7: {  	[sflag:s29] =	ssyncadd.s32 $0xFFFFFFFF  }
0xb8: {  	_ =	strace $0x90000048  }
0xb9: {  	_ =	sfence  }
0xba: {  	s30 =	sld [smem:$0x0];
	_ =	sdelay $0x2  }
0xbb: {  	s31 =	sshll.u32 s1, $0xD;
	s1 =	sshrl.u32 s1, $0x2  }
0xbc: {  	s3 =	sand.u32 $0x4000, s31;
	s1 =	sadd.s32 s1, s30  }
0xbd: {  	s0 =	sor.u32 s3, s0;
	s1 =	sshll.u32 s1, $0x11  }
0xbe: {  	s0 =	sor.u32 s1, s0  }
0xbf: {  	s0 =	sadd.s32 $0x8F2B, s0  }
0xc0: {  	[sflag:s0] =	ssyncadd.remote.s32 $0x1  }
0xc1: {  	_ =	sfence.sel $0xFFFF  }
0xc2: {  	[dreg:$0x0] =	wrdreg $0xFFFFFFFF;
	(pc) =	sbr.abs _section_cstart, $3  }
0xc3: {  	[dreg:$0x1] =	wrdreg $0xFFFFFFFF  }
0xc4: {  	_ =	task.clear_ibuf [dreg:s9], $0x2FFFF;
	_ =	strace $0x9FFFFFFF  }
0xc5: {  	(tm) =	ssettm $0x7FFFFFFF  }
tec
execute0_lowered:
.L_overlay_start_1:
0x0: {  	(tag) =	ssettag $0x1  }
0x1: {  	s1 =	rddreg [dreg:$0x0]  }
0x2: {  	s0 =	rddreg [dreg:$0x1];
	s2 =	srdreg.scid  }
0x3: {  	s10 =	stileid.u32;
	s4 =	rddreg [dreg:$0x2];
	s3 =	simm.s32 $0x0  }
0x4: {  	s15 =	simm.s32 $0xF;
	s16 =	simm.s32 $0x80;
	s17 =	simm.s32 $0x1900  }
0x5: {  	s28 =	simm.s32 $0x1;
	s2 =	sand.u32 $0x1, s2;
	s5 =	sshll.u32 s10, $0x1  }
0x6: {  	s30 =	simm.s32 $0x19900;
	s19 =	smul.u32 $0x32000, s10;
	s5 =	sor.u32 s2, s5  }
0x7: {  	s31 =	simm.s32 $0x2;
	s29 =	simm.s32 $0xB;
	s6 =	smul.u32 $0x1900, s5  }
0x8: {  	[smem:$0x7FF] =	sst s3;
	s7 =	ssub.s32 $0x2, s2;
	s8 =	smul.u32 $0xC8000, s5  }
0x9: {  	_ =	strace $0x80000047;
	s9 =	sshrl.u32 s7, $0x1;
	s5 =	smul.u32 $0x19000, s5  }
0xa: {  	s2 =	smul.u32 $0x19000, s2;
	s7 =	ssub.s32 s7, s9;
	s9 =	simm.s32 $0x0  }
0xb: {  	s6 =	sshrl.u32 s6, $0x3;
	s18 =	sshrl.u32 s8, $0x3;
	s5 =	sadd.s32 s4, s5  }
0xc: {  	s26 =	smax.u32 s7, $0x1;
	s0 =	sadd.s32 s0, s6;
	[dreg:$0x5] =	wrdreg s5  }
0xd: {  	s7 =	simm.s32 $0xD;
	[dreg:$0x4] =	wrdreg s0;
	s0 =	sadd.s32 s4, s18  }
0xe: {  	s8 =	simm.s32 $0xE;
	[dreg:$0xd] =	wrdreg s26;
	s20 =	sadd.s32 $0x15800, s0  }
0xf: {  	s26 =	simm.s32 $0x15900;
	s21 =	sadd.s32 $0x16000, s0;
	[dreg:$0x6] =	wrdreg s20  }
0x10: {  	s5 =	simm.s32 $0xC;
	s22 =	sadd.s32 $0x16800, s0;
	[dreg:$0x7] =	wrdreg s21  }
0x11: {  	s6 =	simm.s32 $0x7;
	s23 =	sadd.s32 $0x17000, s0;
	[dreg:$0x8] =	wrdreg s22  }
0x12: {  	s4 =	sadd.s32 s19, s4;
	s24 =	sadd.s32 $0x17800, s0;
	[dreg:$0x9] =	wrdreg s23  }
0x13: {  	s18 =	simm.s32 $0x5900;
	s25 =	sadd.s32 $0x18000, s0;
	[dreg:$0xa] =	wrdreg s24  }
0x14: {  	s19 =	simm.s32 $0x9;
	s0 =	sadd.s32 $0x18800, s0;
	[dreg:$0xb] =	wrdreg s25  }
0x15: {  	s2 =	sadd.s32 s2, s4;
	s4 =	simm.s32 $0x6;
	[dreg:$0xc] =	wrdreg s0  }
0x16: {  	s14 =	sadd.s32 $0x2000, s2;
	s20 =	simm.s32 $0x9900;
	s22 =	simm.s32 $0xD900  }
0x17: {  	s24 =	simm.s32 $0x11900;
	s2 =	simm.s32 $0x8;
	s0 =	simm.s32 $0x3  }
0x18: {  	s21 =	simm.s32 $0x4;
	s23 =	simm.s32 $0xA;
	s25 =	simm.s32 $0x5  }
.LBB2_1:
0x19: {  	s10 =	rddreg [dreg:$0x4]  }
0x1a: {  	[tilespmem:s3], [sflag:$0xF] =	stream.linear.gather [hbm4b:s10+s3], $0x1900, $0x38;
	[tilespmem:$0x1D900] =	vst v63  }
0x1b: {  	_ =	swait.ge [sflag:s15], $0x1900  }
0x1c: {  	[sflag:s15] =	ssyncset.done $0x0  }
0x1d: {  	[sflag:s15] =	ssyncadd.s32 $0xFFFFE700  }
0x1e: {  	[tilespmem:s17], [sflag:$0x1] =	stream.indirect.gather [hbm4b:s1+s16], $0x80, s3, s16, $0xb8;
	[tilespmem:$0x1D900] =	vst v63  }
0x1f: {  	_ = 	snop  }
0x20: {  	[tilespmem:s18], [sflag:$0x2] =	stream.indirect.gather [hbm4b:s1+s16], $0x80, s16, s16, $0xb8;
	[tilespmem:$0x1D900] =	vst v63  }
0x21: {  	s11 =	simm.s32 $0x100  }
0x22: {  	[tilespmem:s20], [sflag:$0x3] =	stream.indirect.gather [hbm4b:s1+s16], $0x80, s11, s16, $0xb8;
	[tilespmem:$0x1D900] =	vst v63  }
0x23: {  	s12 =	simm.s32 $0x180  }
0x24: {  	[tilespmem:s22], [sflag:$0x4] =	stream.indirect.gather [hbm4b:s1+s16], $0x80, s12, s16, $0xb8;
	[tilespmem:$0x1D900] =	vst v63  }
0x25: {  	s13 =	simm.s32 $0x200  }
0x26: {  	[tilespmem:s24], [sflag:$0x5] =	stream.indirect.gather [hbm4b:s1+s16], $0x80, s13, s16, $0xb8;
	[tilespmem:$0x1D900] =	vst v63  }
0x27: {  	s11 =	simm.s32 $0x280  }
0x28: {  	[tilespmem:s26], [sflag:$0x6] =	stream.indirect.gather [hbm4b:s1+s16], $0x80, s11, s16, $0xb8;
	[tilespmem:$0x1D900] =	vst v63  }
0x29: {  	_ =	swait.ge [sflag:s28], $0x4000  }
0x2a: {  	[sflag:s28] =	ssyncset.done $0x0  }
0x2b: {  	s12 =	rddreg [dreg:$0x5];
	[sflag:s28] =	ssyncadd.s32 $0xFFFFC000  }
0x2c: {  	[hbm4b:s12+s3] =	stream.linear.scatter [tilespmem:s17], [sflag:$0x8], $0x4000, $0x38;
	[tilespmem:$0x1D900] =	vst v63  }
0x2d: {  	s13 =	simm.s32 $0x300  }
0x2e: {  	[tilespmem:s30], [sflag:$0x7] =	stream.indirect.gather [hbm4b:s1+s16], $0x80, s13, s16, $0xb8;
	[tilespmem:$0x1D900] =	vst v63  }
0x2f: {  	_ =	swait.ge [sflag:s31], $0x4000  }
0x30: {  	[sflag:s31] =	ssyncset.done $0x0  }
0x31: {  	s11 =	sadd.s32 $0xFFFFE800, s14;
	[sflag:s31] =	ssyncadd.s32 $0xFFFFC000  }
0x32: {  	[hbm4b:s11+s3] =	stream.linear.scatter [tilespmem:s18], [sflag:$0x9], $0x4000, $0x38;
	[tilespmem:$0x1D900] =	vst v63  }
0x33: {  	_ =	swait.ge [sflag:s2], $0x4000  }
0x34: {  	[sflag:s2] =	ssyncset.done $0x0  }
0x35: {  	s12 =	simm.s32 $0x380;
	[sflag:s2] =	ssyncadd.s32 $0xFFFFC000  }
0x36: {  	[tilespmem:s17], [sflag:$0x1] =	stream.indirect.gather [hbm4b:s1+s16], $0x80, s12, s16, $0xb8;
	[tilespmem:$0x1D900] =	vst v63  }
0x37: {  	_ =	swait.ge [sflag:s0], $0x4000  }
0x38: {  	[sflag:s0] =	ssyncset.done $0x0  }
0x39: {  	s13 =	sadd.s32 $0xFFFFF000, s14;
	[sflag:s0] =	ssyncadd.s32 $0xFFFFC000  }
0x3a: {  	[hbm4b:s13+s3] =	stream.linear.scatter [tilespmem:s20], [sflag:$0xA], $0x4000, $0x38;
	[tilespmem:$0x1D900] =	vst v63  }
0x3b: {  	_ =	swait.ge [sflag:s19], $0x4000  }
0x3c: {  	[sflag:s19] =	ssyncset.done $0x0  }
0x3d: {  	s11 =	simm.s32 $0x400;
	[sflag:s19] =	ssyncadd.s32 $0xFFFFC000  }
0x3e: {  	[tilespmem:s18], [sflag:$0x2] =	stream.indirect.gather [hbm4b:s1+s16], $0x80, s11, s16, $0xb8;
	[tilespmem:$0x1D900] =	vst v63  }
0x3f: {  	_ =	swait.ge [sflag:s21], $0x4000  }
0x40: {  	[sflag:s21] =	ssyncset.done $0x0  }
0x41: {  	s12 =	sadd.s32 $0xFFFFF800, s14;
	[sflag:s21] =	ssyncadd.s32 $0xFFFFC000  }
0x42: {  	[hbm4b:s12+s3] =	stream.linear.scatter [tilespmem:s22], [sflag:$0xB], $0x4000, $0x38;
	[tilespmem:$0x1D900] =	vst v63  }
0x43: {  	_ =	swait.ge [sflag:s23], $0x4000  }
0x44: {  	[sflag:s23] =	ssyncset.done $0x0  }
0x45: {  	s13 =	simm.s32 $0x480;
	[sflag:s23] =	ssyncadd.s32 $0xFFFFC000  }
0x46: {  	[tilespmem:s20], [sflag:$0x3] =	stream.indirect.gather [hbm4b:s1+s16], $0x80, s13, s16, $0xb8;
	[tilespmem:$0x1D900] =	vst v63  }
0x47: {  	_ =	swait.ge [sflag:s25], $0x4000  }
0x48: {  	[sflag:s25] =	ssyncset.done $0x0  }
0x49: {  	[sflag:s25] =	ssyncadd.s32 $0xFFFFC000  }
0x4a: {  	[hbm4b:s14+s3] =	stream.linear.scatter [tilespmem:s24], [sflag:$0xC], $0x4000, $0x38;
	[tilespmem:$0x1D900] =	vst v63  }
0x4b: {  	_ =	swait.ge [sflag:s29], $0x4000  }
0x4c: {  	[sflag:s29] =	ssyncset.done $0x0  }
0x4d: {  	s11 =	simm.s32 $0x500;
	[sflag:s29] =	ssyncadd.s32 $0xFFFFC000  }
0x4e: {  	[tilespmem:s22], [sflag:$0x4] =	stream.indirect.gather [hbm4b:s1+s16], $0x80, s11, s16, $0xb8;
	[tilespmem:$0x1D900] =	vst v63  }
0x4f: {  	_ =	swait.ge [sflag:s4], $0x4000  }
0x50: {  	[sflag:s4] =	ssyncset.done $0x0  }
0x51: {  	s12 =	sadd.s32 $0x800, s14;
	[sflag:s4] =	ssyncadd.s32 $0xFFFFC000  }
0x52: {  	[hbm4b:s12+s3] =	stream.linear.scatter [tilespmem:s26], [sflag:$0xD], $0x4000, $0x38;
	[tilespmem:$0x1D900] =	vst v63  }
0x53: {  	_ =	swait.ge [sflag:s5], $0x4000  }
0x54: {  	[sflag:s5] =	ssyncset.done $0x0  }
0x55: {  	s13 =	simm.s32 $0x580;
	[sflag:s5] =	ssyncadd.s32 $0xFFFFC000  }
0x56: {  	[tilespmem:s24], [sflag:$0x5] =	stream.indirect.gather [hbm4b:s1+s16], $0x80, s13, s16, $0xb8;
	[tilespmem:$0x1D900] =	vst v63  }
0x57: {  	_ =	swait.ge [sflag:s6], $0x4000  }
0x58: {  	[sflag:s6] =	ssyncset.done $0x0  }
0x59: {  	s11 =	sadd.s32 $0x1000, s14;
	[sflag:s6] =	ssyncadd.s32 $0xFFFFC000  }
0x5a: {  	[hbm4b:s11+s3] =	stream.linear.scatter [tilespmem:s30], [sflag:$0xE], $0x4000, $0x38;
	[tilespmem:$0x1D900] =	vst v63  }
0x5b: {  	_ =	swait.ge [sflag:s7], $0x4000  }
0x5c: {  	[sflag:s7] =	ssyncset.done $0x0  }
0x5d: {  	s12 =	simm.s32 $0x600;
	[sflag:s7] =	ssyncadd.s32 $0xFFFFC000  }
0x5e: {  	[tilespmem:s26], [sflag:$0x6] =	stream.indirect.gather [hbm4b:s1+s16], $0x80, s12, s16, $0xb8;
	[tilespmem:$0x1D900] =	vst v63  }
0x5f: {  	_ =	swait.ge [sflag:s28], $0x4000  }
0x60: {  	[sflag:s28] =	ssyncset.done $0x0  }
0x61: {  	s13 =	sadd.s32 $0x1800, s14;
	[sflag:s28] =	ssyncadd.s32 $0xFFFFC000  }
0x62: {  	[hbm4b:s13+s3] =	stream.linear.scatter [tilespmem:s17], [sflag:$0x8], $0x4000, $0x38;
	[tilespmem:$0x1D900] =	vst v63  }
0x63: {  	_ =	swait.ge [sflag:s8], $0x4000  }
0x64: {  	s10 =	simm.s32 $0xE00;
	[sflag:s8] =	ssyncset.done $0x0  }
0x65: {  	s11 =	sadd.s32 $0x3800, s14;
	s12 =	simm.s32 $0x680;
	[sflag:s8] =	ssyncadd.s32 $0xFFFFC000  }
.LBB2_2:
0x66: {  	[tilespmem:s30], [sflag:$0x7] =	stream.indirect.gather [hbm4b:s1+s16], $0x80, s12, s16, $0xb8;
	[tilespmem:$0x1D900] =	vst v63  }
0x67: {  	s12 =	smov.u32 s10  }
0x68: {  	p0 =	sne.s32 s10, $0x4600;
	s10 =	sadd.s32 $0xE00, s10;
	_ =	swait.ge [sflag:s31], $0x4000  }
0x69: {  	[sflag:s31] =	ssyncset.done $0x0  }
0x6a: {  	s13 =	sadd.s32 $0xFFFFE800, s11;
	[sflag:s31] =	ssyncadd.s32 $0xFFFFC000  }
0x6b: {  	[hbm4b:s13+s3] =	stream.linear.scatter [tilespmem:s18], [sflag:$0x9], $0x4000, $0x38;
	[tilespmem:$0x1D900] =	vst v63  }
0x6c: {  	_ =	swait.ge [sflag:s2], $0x4000  }
0x6d: {  	s12 =	sshra.s32 s12, $0x2;
	[sflag:s2] =	ssyncset.done $0x0  }
0x6e: {  	s13 =	sadd.s32 $0x380, s12;
	[sflag:s2] =	ssyncadd.s32 $0xFFFFC000  }
0x6f: {  	[tilespmem:s17], [sflag:$0x1] =	stream.indirect.gather [hbm4b:s1+s16], $0x80, s13, s16, $0xb8;
	[tilespmem:$0x1D900] =	vst v63  }
0x70: {  	_ =	swait.ge [sflag:s0], $0x4000  }
0x71: {  	[sflag:s0] =	ssyncset.done $0x0  }
0x72: {  	s13 =	sadd.s32 $0xFFFFF000, s11;
	[sflag:s0] =	ssyncadd.s32 $0xFFFFC000  }
0x73: {  	[hbm4b:s13+s3] =	stream.linear.scatter [tilespmem:s20], [sflag:$0xA], $0x4000, $0x38;
	[tilespmem:$0x1D900] =	vst v63  }
0x74: {  	_ =	swait.ge [sflag:s19], $0x4000  }
0x75: {  	[sflag:s19] =	ssyncset.done $0x0  }
0x76: {  	s13 =	sadd.s32 $0x400, s12;
	[sflag:s19] =	ssyncadd.s32 $0xFFFFC000  }
0x77: {  	[tilespmem:s18], [sflag:$0x2] =	stream.indirect.gather [hbm4b:s1+s16], $0x80, s13, s16, $0xb8;
	[tilespmem:$0x1D900] =	vst v63  }
0x78: {  	_ =	swait.ge [sflag:s21], $0x4000  }
0x79: {  	[sflag:s21] =	ssyncset.done $0x0  }
0x7a: {  	s13 =	sadd.s32 $0xFFFFF800, s11;
	[sflag:s21] =	ssyncadd.s32 $0xFFFFC000  }
0x7b: {  	[hbm4b:s13+s3] =	stream.linear.scatter [tilespmem:s22], [sflag:$0xB], $0x4000, $0x38;
	[tilespmem:$0x1D900] =	vst v63  }
0x7c: {  	_ =	swait.ge [sflag:s23], $0x4000  }
0x7d: {  	[sflag:s23] =	ssyncset.done $0x0  }
0x7e: {  	s13 =	sadd.s32 $0x480, s12;
	[sflag:s23] =	ssyncadd.s32 $0xFFFFC000  }
0x7f: {  	[tilespmem:s20], [sflag:$0x3] =	stream.indirect.gather [hbm4b:s1+s16], $0x80, s13, s16, $0xb8;
	[tilespmem:$0x1D900] =	vst v63  }
0x80: {  	_ =	swait.ge [sflag:s25], $0x4000  }
0x81: {  	[sflag:s25] =	ssyncset.done $0x0  }
0x82: {  	[sflag:s25] =	ssyncadd.s32 $0xFFFFC000  }
0x83: {  	[hbm4b:s11+s3] =	stream.linear.scatter [tilespmem:s24], [sflag:$0xC], $0x4000, $0x38;
	[tilespmem:$0x1D900] =	vst v63  }
0x84: {  	_ =	swait.ge [sflag:s29], $0x4000  }
0x85: {  	[sflag:s29] =	ssyncset.done $0x0  }
0x86: {  	s13 =	sadd.s32 $0x500, s12;
	[sflag:s29] =	ssyncadd.s32 $0xFFFFC000  }
0x87: {  	[tilespmem:s22], [sflag:$0x4] =	stream.indirect.gather [hbm4b:s1+s16], $0x80, s13, s16, $0xb8;
	[tilespmem:$0x1D900] =	vst v63  }
0x88: {  	_ =	swait.ge [sflag:s4], $0x4000  }
0x89: {  	[sflag:s4] =	ssyncset.done $0x0  }
0x8a: {  	s13 =	sadd.s32 $0x800, s11;
	[sflag:s4] =	ssyncadd.s32 $0xFFFFC000  }
0x8b: {  	[hbm4b:s13+s3] =	stream.linear.scatter [tilespmem:s26], [sflag:$0xD], $0x4000, $0x38;
	[tilespmem:$0x1D900] =	vst v63  }
0x8c: {  	_ =	swait.ge [sflag:s5], $0x4000  }
0x8d: {  	[sflag:s5] =	ssyncset.done $0x0  }
0x8e: {  	s13 =	sadd.s32 $0x580, s12;
	[sflag:s5] =	ssyncadd.s32 $0xFFFFC000  }
0x8f: {  	[tilespmem:s24], [sflag:$0x5] =	stream.indirect.gather [hbm4b:s1+s16], $0x80, s13, s16, $0xb8;
	[tilespmem:$0x1D900] =	vst v63  }
0x90: {  	_ =	swait.ge [sflag:s6], $0x4000  }
0x91: {  	[sflag:s6] =	ssyncset.done $0x0  }
0x92: {  	s13 =	sadd.s32 $0x1000, s11;
	[sflag:s6] =	ssyncadd.s32 $0xFFFFC000  }
0x93: {  	[hbm4b:s13+s3] =	stream.linear.scatter [tilespmem:s30], [sflag:$0xE], $0x4000, $0x38;
	[tilespmem:$0x1D900] =	vst v63  }
0x94: {  	_ =	swait.ge [sflag:s7], $0x4000  }
0x95: {  	[sflag:s7] =	ssyncset.done $0x0  }
0x96: {  	s13 =	sadd.s32 $0x600, s12;
	[sflag:s7] =	ssyncadd.s32 $0xFFFFC000  }
0x97: {  	[tilespmem:s26], [sflag:$0x6] =	stream.indirect.gather [hbm4b:s1+s16], $0x80, s13, s16, $0xb8;
	[tilespmem:$0x1D900] =	vst v63  }
0x98: {  	_ =	swait.ge [sflag:s28], $0x4000  }
0x99: {  	[sflag:s28] =	ssyncset.done $0x0  }
.Ltmp0:
0x9a: {  	s13 =	sadd.s32 $0x1800, s11;
	[sflag:s28] =	ssyncadd.s32 $0xFFFFC000;
	(pc) =	sbr.rel @p0 .LBB2_2-.Ltmp0, $4  }
0x9b: {  	[hbm4b:s13+s3] =	stream.linear.scatter [tilespmem:s17], [sflag:$0x8], $0x4000, $0x38;
	[tilespmem:$0x1D900] =	vst v63  }
0x9c: {  	_ =	swait.ge [sflag:s8], $0x4000  }
0x9d: {  	[sflag:s8] =	ssyncset.done $0x0  }
0x9e: {  	s12 =	sadd.s32 $0x680, s12;
	s11 =	sadd.s32 $0x3800, s11;
	[sflag:s8] =	ssyncadd.s32 $0xFFFFC000  }
0x9f: {  	[tilespmem:s30], [sflag:$0x7] =	stream.indirect.gather [hbm4b:s1+s16], $0x80, s12, s16, $0xb8;
	[tilespmem:$0x1D900] =	vst v63  }
0xa0: {  	_ =	swait.ge [sflag:s31], $0x4000  }
0xa1: {  	[sflag:s31] =	ssyncset.done $0x0  }
0xa2: {  	s10 =	rddreg [dreg:$0x6];
	[sflag:s31] =	ssyncadd.s32 $0xFFFFC000  }
0xa3: {  	[hbm4b:s10+s3] =	stream.linear.scatter [tilespmem:s18], [sflag:$0x9], $0x4000, $0x38;
	[tilespmem:$0x1D900] =	vst v63  }
0xa4: {  	_ =	swait.ge [sflag:s2], $0x4000  }
0xa5: {  	[sflag:s2] =	ssyncset.done $0x0  }
0xa6: {  	s12 =	simm.s32 $0x1880;
	[sflag:s2] =	ssyncadd.s32 $0xFFFFC000  }
0xa7: {  	[tilespmem:s17], [sflag:$0x1] =	stream.indirect.gather [hbm4b:s1+s16], $0x80, s12, s16, $0xb8;
	[tilespmem:$0x1D900] =	vst v63  }
0xa8: {  	_ =	swait.ge [sflag:s0], $0x4000  }
0xa9: {  	[sflag:s0] =	ssyncset.done $0x0  }
0xaa: {  	s13 =	rddreg [dreg:$0x7];
	[sflag:s0] =	ssyncadd.s32 $0xFFFFC000  }
0xab: {  	[hbm4b:s13+s3] =	stream.linear.scatter [tilespmem:s20], [sflag:$0xA], $0x4000, $0x38;
	[tilespmem:$0x1D900] =	vst v63  }
0xac: {  	_ =	swait.ge [sflag:s19], $0x4000  }
0xad: {  	[sflag:s19] =	ssyncset.done $0x0  }
0xae: {  	[sflag:s19] =	ssyncadd.s32 $0xFFFFC000  }
0xaf: {  	_ =	swait.ge [sflag:s21], $0x4000  }
0xb0: {  	[sflag:s21] =	ssyncset.done $0x0  }
0xb1: {  	s11 =	rddreg [dreg:$0x8];
	[sflag:s21] =	ssyncadd.s32 $0xFFFFC000  }
0xb2: {  	[hbm4b:s11+s3] =	stream.linear.scatter [tilespmem:s22], [sflag:$0xB], $0x4000, $0x38;
	[tilespmem:$0x1D900] =	vst v63  }
0xb3: {  	_ =	swait.ge [sflag:s23], $0x4000  }
0xb4: {  	[sflag:s23] =	ssyncset.done $0x0  }
0xb5: {  	[sflag:s23] =	ssyncadd.s32 $0xFFFFC000  }
0xb6: {  	_ =	swait.ge [sflag:s25], $0x4000  }
0xb7: {  	[sflag:s25] =	ssyncset.done $0x0  }
0xb8: {  	s12 =	rddreg [dreg:$0x9];
	[sflag:s25] =	ssyncadd.s32 $0xFFFFC000  }
0xb9: {  	[hbm4b:s12+s3] =	stream.linear.scatter [tilespmem:s24], [sflag:$0xC], $0x4000, $0x38;
	[tilespmem:$0x1D900] =	vst v63  }
0xba: {  	_ =	swait.ge [sflag:s29], $0x4000  }
0xbb: {  	[sflag:s29] =	ssyncset.done $0x0  }
0xbc: {  	[sflag:s29] =	ssyncadd.s32 $0xFFFFC000  }
0xbd: {  	_ =	swait.ge [sflag:s4], $0x4000  }
0xbe: {  	[sflag:s4] =	ssyncset.done $0x0  }
0xbf: {  	s13 =	rddreg [dreg:$0xa];
	[sflag:s4] =	ssyncadd.s32 $0xFFFFC000  }
0xc0: {  	[hbm4b:s13+s3] =	stream.linear.scatter [tilespmem:s26], [sflag:$0xD], $0x4000, $0x38;
	[tilespmem:$0x1D900] =	vst v63  }
0xc1: {  	_ =	swait.ge [sflag:s5], $0x4000  }
0xc2: {  	[sflag:s5] =	ssyncset.done $0x0  }
0xc3: {  	[sflag:s5] =	ssyncadd.s32 $0xFFFFC000  }
0xc4: {  	_ =	swait.ge [sflag:s6], $0x4000  }
0xc5: {  	[sflag:s6] =	ssyncset.done $0x0  }
0xc6: {  	s11 =	rddreg [dreg:$0xb];
	[sflag:s6] =	ssyncadd.s32 $0xFFFFC000  }
0xc7: {  	[hbm4b:s11+s3] =	stream.linear.scatter [tilespmem:s30], [sflag:$0xE], $0x4000, $0x38;
	[tilespmem:$0x1D900] =	vst v63  }
0xc8: {  	_ =	swait.ge [sflag:s7], $0x4000  }
0xc9: {  	[sflag:s7] =	ssyncset.done $0x0  }
0xca: {  	[sflag:s7] =	ssyncadd.s32 $0xFFFFC000  }
0xcb: {  	_ =	swait.ge [sflag:s28], $0x4000  }
0xcc: {  	[sflag:s28] =	ssyncset.done $0x0  }
0xcd: {  	s12 =	rddreg [dreg:$0xc];
	[sflag:s28] =	ssyncadd.s32 $0xFFFFC000  }
0xce: {  	[hbm4b:s12+s3] =	stream.linear.scatter [tilespmem:s17], [sflag:$0x8], $0x4000, $0x38;
	[tilespmem:$0x1D900] =	vst v63  }
0xcf: {  	_ =	swait.ge [sflag:s8], $0x4000  }
0xd0: {  	[sflag:s8] =	ssyncset.done $0x0  }
0xd1: {  	[sflag:s8] =	ssyncadd.s32 $0xFFFFC000  }
0xd2: {  	_ =	swait.ge [sflag:s2], $0x4000  }
0xd3: {  	s9 =	sadd.s32 $0x1, s9;
	s13 =	rddreg [dreg:$0xd]  }
0xd4: {  	p0 =	sne.s32 s9, s13  }
.Ltmp1:
0xd5: {  	_ = 	snop;
	(pc) =	sbr.rel @p0 .LBB2_1-.Ltmp1, $3  }
0xd6: {  	_ =	sdelay $0x1  }
0xd7: {  	[sflag:s2] =	ssyncset.done $0x0  }
0xd8: {  	[sflag:s2] =	ssyncadd.s32 $0xFFFFC000  }
0xd9: {  	_ =	sfence.sel $0x180000  }
0xda: {  	[bflag:$0x0] =	sbarrier.arrive $0xFFFF  }
0xdb: {  	_ =	strace $0x90000047  }
0xdc: {  	s0 =	stileid.u32;
	[bflag:$0x2] =	sbarrier.arrive $0xFFFF  }
0xdd: {  	p0 =	sne.s32 s0, $0x0;
	s0 =	rddreg [dreg:$0x3]  }
0xde: {  	s0 =	sadd.s32 @!p0 $0x100000, s0  }
0xdf: {  	[sflag:s0] =	ssyncadd.tile.s32 @!p0 $0x1;
	_ =	shalt  }
.Lfunc_end2:
_tile_overlayer_lowered:
.L_overlay_start_2:
0xe0: {  	(tag) =	ssettag $0x2  }
0xe1: {  	s0 =	rddreg [dreg:$0x0];
	s2 =	stileid.u32  }
0xe2: {  	s1 =	rddreg [dreg:$0x1];
	p0 =	sne.s32 s2, $0x0  }
0xe3: {  	s3 =	rddreg [dreg:$0x2];
	[bflag:$0x3] =	sbarrier.arrive $0xFFFF;
	s2 =	simm.s32 @!p0 $0x1C0F  }
0xe4: {  	[timem:s3], [sflag:s2] =	dma.local @!p0 [hbm:s0], s1  }
0xe5: {  	s0 =	simm.s32 @!p0 $0xF  }
0xe6: {  	_ =	swait.ge @!p0 [sflag:s0], s1  }
0xe7: {  	s1 =	ssub.s32 @!p0 $0x0, s1;
	[sflag:s0] =	ssyncset.done @!p0 $0x0  }
0xe8: {  	[sflag:s0] =	ssyncadd.s32 @!p0 s1  }
0xe9: {  	[bflag:$0x3] =	sbarrier.arrive $0xFFFF  }
0xea: {  	_ =	shalt  }

</sc_bundles>
